<compile_context>
chip_gen: v7x
topology: tpu7x:2x2x1
jax: 0.10.2.dev20260603
libtpu: 0.0.44.dev20260713+nightly
codegen_flags: <defaults>
</compile_context>

<pallas_src>
import jax
import jax.numpy as jnp
from jax import lax
from jax.experimental import pallas as pl
from jax.experimental.pallas import tpu as pltpu
from jax.experimental.pallas import tpu_sc as plsc

HIDDEN = 768
SEQ = 512
NV = HIDDEN // 16
NC, NS = 2, 16
NW = NC * NS
EPS = 1e-12


def _lane_sum(x):
    for s in (1, 2, 4, 8):
        idx = lax.iota(jnp.int32, 16) ^ s
        perm = lax.gather(
            x, idx[:, None],
            lax.GatherDimensionNumbers(offset_dims=(),
                                       collapsed_slice_dims=(0,),
                                       start_index_map=(0,)),
            slice_sizes=(1,),
            mode=lax.GatherScatterMode.PROMISE_IN_BOUNDS)
        x = x + perm
    return x


def _sc_embed_ln(ids_hbm, wtab_hbm, ptab_hbm, gamma_hbm,
                 beta_hbm, tt_hbm, out_hbm, idsbuf, ttbuf, ptidxbuf,
                 wbuf, pbuf, gbuf, bbuf, sem1, sem2):
    ntok = out_hbm.shape[0]
    tok_per_w = ntok // NW
    ch = 32
    nchunk = tok_per_w // ch
    wid = lax.axis_index("s") * NC + lax.axis_index("c")
    base0 = wid * tok_per_w

    pltpu.sync_copy(gamma_hbm, gbuf)
    pltpu.sync_copy(beta_hbm, bbuf)

    def chunk_body(c, carry):
        base = base0 + c * ch
        posbase = lax.rem(base, SEQ)
        pltpu.sync_copy(ids_hbm.at[pl.ds(base, ch)], idsbuf)
        pltpu.sync_copy(tt_hbm.at[pl.ds(base, ch)], ttbuf)
        for k in range(ch // 16):
            ttv = ttbuf[pl.ds(k * 16, 16)]
            posv = posbase + k * 16 + lax.iota(jnp.int32, 16)
            ptidxbuf[pl.ds(k * 16, 16)] = posv + SEQ * ttv
        cp1 = pltpu.async_copy(wtab_hbm.at[idsbuf], wbuf, sem1)
        cp2 = pltpu.async_copy(ptab_hbm.at[ptidxbuf], pbuf, sem2)
        cp1.wait()
        cp2.wait()

        def tok_body(t, _):
            acc = jnp.zeros((16,), jnp.float32)
            accsq = jnp.zeros((16,), jnp.float32)
            xs = []
            for j in range(NV):
                x = wbuf[t, pl.ds(j * 16, 16)] + pbuf[t, pl.ds(j * 16, 16)]
                acc = acc + x
                accsq = accsq + x * x
                xs.append(x)
            us = _lane_sum(acc) * (1.0 / HIDDEN)
            v = _lane_sum(accsq) * (1.0 / HIDDEN) - us * us + EPS
            yi = jnp.int32(0x5F3759DF) - lax.shift_right_logical(
                lax.bitcast_convert_type(v, jnp.int32), 1)
            y = lax.bitcast_convert_type(yi, jnp.float32)
            for _ in range(3):
                y = y * (1.5 - 0.5 * v * y * y)
            for j in range(NV):
                g = gbuf[pl.ds(j * 16, 16)]
                b = bbuf[pl.ds(j * 16, 16)]
                pbuf[t, pl.ds(j * 16, 16)] = (xs[j] - us) * y * g + b
            return _

        lax.fori_loop(0, ch, tok_body, 0)
        pltpu.sync_copy(pbuf, out_hbm.at[pl.ds(base, ch)])
        return carry

    lax.fori_loop(0, nchunk, chunk_body, 0)


def kernel(input_ids, token_type_ids, word_embeddings, position_embeddings,
           token_type_embeddings, gamma, beta):
    batch, seq = input_ids.shape
    ntok = batch * seq
    ids_flat = input_ids.reshape(ntok).astype(jnp.int32)
    tt_flat = token_type_ids.reshape(ntok).astype(jnp.int32)
    ptab = jnp.concatenate(
        [position_embeddings + token_type_embeddings[0][None, :],
         position_embeddings + token_type_embeddings[1][None, :]], axis=0)

    ch = 32
    mesh = plsc.VectorSubcoreMesh(core_axis_name="c", subcore_axis_name="s",
                                  num_cores=NC, num_subcores=NS)
    run = pl.kernel(
        _sc_embed_ln,
        out_type=jax.ShapeDtypeStruct((ntok, HIDDEN), jnp.float32),
        mesh=mesh,
        scratch_types=[
            pltpu.VMEM((ch,), jnp.int32),
            pltpu.VMEM((ch,), jnp.int32),
            pltpu.VMEM((ch,), jnp.int32),
            pltpu.VMEM((ch, HIDDEN), jnp.float32),
            pltpu.VMEM((ch, HIDDEN), jnp.float32),
            pltpu.VMEM((HIDDEN,), jnp.float32),
            pltpu.VMEM((HIDDEN,), jnp.float32),
            pltpu.SemaphoreType.DMA,
            pltpu.SemaphoreType.DMA,
        ],
    )
    out = run(ids_flat, word_embeddings, ptab, gamma, beta, tt_flat)
    return out.reshape(batch, seq, HIDDEN)

# --- scband reference (transcript-rebuilt; emitter-appended) ---
"""Pipeline reference for scband-bertembeddings-2070174237060 (READ-ONLY COPY).

The authoritative reference and input builder live on the scoring server;
editing this copy changes nothing except your own understanding.
"""

import jax, jax.numpy as jnp
import numpy as np

VOCAB = 100000
HIDDEN = 768
MAX_POS = 512
TYPE_VOCAB = 2
BATCH = 64
SEQ = 512
EPS = 1e-12


def setup_inputs(seed: int = 0) -> dict:
    key = jax.random.key(seed)
    k1, k2, k3, k4, k5 = jax.random.split(key, 5)
    input_ids = jax.random.randint(k1, (BATCH, SEQ), 0, VOCAB, dtype=jnp.int64 if jax.config.jax_enable_x64 else jnp.int32)
    token_type_ids = jax.random.randint(k2, (BATCH, SEQ), 0, TYPE_VOCAB, dtype=jnp.int64 if jax.config.jax_enable_x64 else jnp.int32)
    word_embeddings = jax.random.normal(k3, (VOCAB, HIDDEN), dtype=jnp.float32) * 0.02
    position_embeddings = jax.random.normal(k4, (MAX_POS, HIDDEN), dtype=jnp.float32) * 0.02
    token_type_embeddings = jax.random.normal(k5, (TYPE_VOCAB, HIDDEN), dtype=jnp.float32) * 0.02
    gamma = jnp.ones((HIDDEN,), dtype=jnp.float32)
    beta = jnp.zeros((HIDDEN,), dtype=jnp.float32)
    return {
        "input_ids": input_ids,
        "token_type_ids": token_type_ids,
        "word_embeddings": word_embeddings,
        "position_embeddings": position_embeddings,
        "token_type_embeddings": token_type_embeddings,
        "gamma": gamma,
        "beta": beta,
    }


def reference(input_ids, token_type_ids, word_embeddings, position_embeddings, token_type_embeddings, gamma, beta):
    seq_length = input_ids.shape[1]
    position_ids = jnp.arange(seq_length, dtype=input_ids.dtype)
    position_ids = jnp.broadcast_to(position_ids[None, :], input_ids.shape)
    words_emb = jnp.take(word_embeddings, input_ids, axis=0)
    pos_emb = jnp.take(position_embeddings, position_ids, axis=0)
    type_emb = jnp.take(token_type_embeddings, token_type_ids, axis=0)
    embeddings = words_emb + pos_emb + type_emb
    # BERTLayerNorm (TF style, eps inside sqrt)
    u = jnp.mean(embeddings, axis=-1, keepdims=True)
    s = jnp.mean((embeddings - u) ** 2, axis=-1, keepdims=True)
    x = (embeddings - u) / jnp.sqrt(s + EPS)
    out = gamma * x + beta
    # dropout is identity in eval mode
    return out

if __name__ == "__main__":
    import jax
    _d = setup_inputs()
    print(jax.jit(kernel)(*tuple(_d.values())))

</pallas_src>

<mosaic_0001>
#map = affine_map<(d0, d1) -> (0)>
#map1 = affine_map<(d0, d1) -> (0, 0)>
module attributes {stable_mosaic.version = 14 : i64} {
  func.func @_sc_embed_ln(%arg0: i32, %arg1: i32, %arg2: memref<32768xi32, #tpu.memory_space<hbm>>, %arg3: memref<100000x768xf32, #tpu.memory_space<hbm>>, %arg4: memref<1024x768xf32, #tpu.memory_space<hbm>>, %arg5: memref<768xf32, #tpu.memory_space<hbm>>, %arg6: memref<768xf32, #tpu.memory_space<hbm>>, %arg7: memref<32768xi32, #tpu.memory_space<hbm>>, %arg8: memref<32768x768xf32, #tpu.memory_space<hbm>>, %arg9: memref<32xi32, #tpu.memory_space<vmem>>, %arg10: memref<32xi32, #tpu.memory_space<vmem>>, %arg11: memref<32xi32, #tpu.memory_space<vmem>>, %arg12: memref<32x768xf32, #tpu.memory_space<vmem>>, %arg13: memref<32x768xf32, #tpu.memory_space<vmem>>, %arg14: memref<768xf32, #tpu.memory_space<vmem>>, %arg15: memref<768xf32, #tpu.memory_space<vmem>>, %arg16: memref<!tpu.dma_semaphore, #tpu.memory_space<semaphore_mem>>, %arg17: memref<!tpu.dma_semaphore, #tpu.memory_space<semaphore_mem>>) attributes {dimension_semantics = [#tpu.dimension_semantics<core_parallel>, #tpu.dimension_semantics<subcore_parallel>], iteration_bounds = array<i64: 2, 16>, scalar_prefetch = 0 : i64, scratch_operands = 9 : i64, tpu.core_type = #tpu.core_type<sc_vector_subcore>, window_params = [{transform_indices = #map}, {transform_indices = #map1}, {transform_indices = #map1}, {transform_indices = #map}, {transform_indices = #map}, {transform_indices = #map}, {transform_indices = #map1}]} {
    %mul3A = arith.constant 2 : i32
    %mul3A_0 = arith.muli %arg1, %mul3A : i32
    %add3A = arith.addi %mul3A_0, %arg0 : i32
    %mul3A_1 = arith.constant 1024 : i32
    %mul3A_2 = arith.muli %add3A, %mul3A_1 : i32
    "tpu.region"() ({
      %run_scoped3A = tpu.sem_alloc : memref<!tpu.dma_semaphore, #tpu.memory_space<semaphore_mem>>
      tpu.enqueue_dma source(%arg5 : memref<768xf32, #tpu.memory_space<hbm>>) target(%arg14 : memref<768xf32, #tpu.memory_space<vmem>>) target_semaphore(%run_scoped3A : memref<!tpu.dma_semaphore, #tpu.memory_space<semaphore_mem>>)
      tpu.wait_dma2 semaphore(%run_scoped3A : memref<!tpu.dma_semaphore, #tpu.memory_space<semaphore_mem>>) src(%arg5 : memref<768xf32, #tpu.memory_space<hbm>>) dst(%arg14 : memref<768xf32, #tpu.memory_space<vmem>>)
      tpu.yield
    }) : () -> ()
    "tpu.region"() ({
      %run_scoped3A = tpu.sem_alloc : memref<!tpu.dma_semaphore, #tpu.memory_space<semaphore_mem>>
      tpu.enqueue_dma source(%arg6 : memref<768xf32, #tpu.memory_space<hbm>>) target(%arg15 : memref<768xf32, #tpu.memory_space<vmem>>) target_semaphore(%run_scoped3A : memref<!tpu.dma_semaphore, #tpu.memory_space<semaphore_mem>>)
      tpu.wait_dma2 semaphore(%run_scoped3A : memref<!tpu.dma_semaphore, #tpu.memory_space<semaphore_mem>>) src(%arg6 : memref<768xf32, #tpu.memory_space<hbm>>) dst(%arg15 : memref<768xf32, #tpu.memory_space<vmem>>)
      tpu.yield
    }) : () -> ()
    %scan3A = arith.constant 0 : i32
    %scan3A_3 = arith.constant 0 : i32
    %scan3A_4 = arith.constant 32 : i32
    %scan3A_5 = arith.addi %scan3A_3, %scan3A_4 : i32
    %scan3A_6 = arith.constant 1 : i32
    scf.for %scan3A_8 = %scan3A_3 to %scan3A_5 step %scan3A_6  : i32 {
      %mul3A_9 = arith.constant 32 : i32
      %mul3A_10 = arith.muli %scan3A_8, %mul3A_9 : i32
      %add3A_11 = arith.addi %mul3A_2, %mul3A_10 : i32
      %rem3A = arith.constant 512 : i32
      %rem3A_12 = arith.remsi %add3A_11, %rem3A : i32
      "tpu.region"() ({
        %run_scoped3A = tpu.sem_alloc : memref<!tpu.dma_semaphore, #tpu.memory_space<semaphore_mem>>
        %dma_start3A_59 = tpu.memref_slice %arg2[%add3A_11] : memref<32768xi32, #tpu.memory_space<hbm>> -> memref<32xi32, #tpu.memory_space<hbm>>
        %dma_start3A_60 = tpu.memref_slice %arg2[%add3A_11] : memref<32768xi32, #tpu.memory_space<hbm>> -> memref<32xi32, #tpu.memory_space<hbm>>
        tpu.enqueue_dma source(%dma_start3A_60 : memref<32xi32, #tpu.memory_space<hbm>>) target(%arg9 : memref<32xi32, #tpu.memory_space<vmem>>) target_semaphore(%run_scoped3A : memref<!tpu.dma_semaphore, #tpu.memory_space<semaphore_mem>>)
        %dma_wait3A_61 = tpu.memref_slice %arg2[%add3A_11] : memref<32768xi32, #tpu.memory_space<hbm>> -> memref<32xi32, #tpu.memory_space<hbm>>
        %dma_wait3A_62 = tpu.memref_slice %arg2[%add3A_11] : memref<32768xi32, #tpu.memory_space<hbm>> -> memref<32xi32, #tpu.memory_space<hbm>>
        tpu.wait_dma2 semaphore(%run_scoped3A : memref<!tpu.dma_semaphore, #tpu.memory_space<semaphore_mem>>) src(%dma_wait3A_62 : memref<32xi32, #tpu.memory_space<hbm>>) dst(%arg9 : memref<32xi32, #tpu.memory_space<vmem>>)
        tpu.yield
      }) : () -> ()
      "tpu.region"() ({
        %run_scoped3A = tpu.sem_alloc : memref<!tpu.dma_semaphore, #tpu.memory_space<semaphore_mem>>
        %dma_start3A_59 = tpu.memref_slice %arg7[%add3A_11] : memref<32768xi32, #tpu.memory_space<hbm>> -> memref<32xi32, #tpu.memory_space<hbm>>
        %dma_start3A_60 = tpu.memref_slice %arg7[%add3A_11] : memref<32768xi32, #tpu.memory_space<hbm>> -> memref<32xi32, #tpu.memory_space<hbm>>
        tpu.enqueue_dma source(%dma_start3A_60 : memref<32xi32, #tpu.memory_space<hbm>>) target(%arg10 : memref<32xi32, #tpu.memory_space<vmem>>) target_semaphore(%run_scoped3A : memref<!tpu.dma_semaphore, #tpu.memory_space<semaphore_mem>>)
        %dma_wait3A_61 = tpu.memref_slice %arg7[%add3A_11] : memref<32768xi32, #tpu.memory_space<hbm>> -> memref<32xi32, #tpu.memory_space<hbm>>
        %dma_wait3A_62 = tpu.memref_slice %arg7[%add3A_11] : memref<32768xi32, #tpu.memory_space<hbm>> -> memref<32xi32, #tpu.memory_space<hbm>>
        tpu.wait_dma2 semaphore(%run_scoped3A : memref<!tpu.dma_semaphore, #tpu.memory_space<semaphore_mem>>) src(%dma_wait3A_62 : memref<32xi32, #tpu.memory_space<hbm>>) dst(%arg10 : memref<32xi32, #tpu.memory_space<vmem>>)
        tpu.yield
      }) : () -> ()
      %get3A = arith.constant 0 : index
      %get3A_13 = tpu.vector_load %arg10[%get3A] {strides = array<i32>} : memref<32xi32, #tpu.memory_space<vmem>>, vector<16xi32>,
      %get3A_14 = vector.shape_cast %get3A_13 : vector<16xi32> to vector<16xi32>
      %add3A_15 = arith.constant 0 : i32
      %add3A_16 = arith.addi %rem3A_12, %add3A_15 : i32
      %iota3A = tpu.iota {dimensions = array<i32: 0>} : vector<16xi32>
      %add3A_17 = vector.broadcast %add3A_16 : i32 to vector<16xi32>
      %add3A_18 = arith.addi %add3A_17, %iota3A : vector<16xi32>
      %mul3A_19 = arith.constant 512 : i32
      %mul3A_20 = vector.broadcast %mul3A_19 : i32 to vector<16xi32>
      %mul3A_21 = arith.muli %mul3A_20, %get3A_14 : vector<16xi32>
      %add3A_22 = arith.addi %add3A_18, %mul3A_21 : vector<16xi32>
      %swap3A = arith.constant 0 : index
      %swap3A_23 = tpu.vector_load %arg11[%swap3A] {strides = array<i32>} : memref<32xi32, #tpu.memory_space<vmem>>, vector<16xi32>,
      %swap3A_24 = vector.shape_cast %swap3A_23 : vector<16xi32> to vector<16xi32>
      %swap3A_25 = vector.shape_cast %add3A_22 : vector<16xi32> to vector<16xi32>
      tpu.vector_store %arg11[%swap3A], %swap3A_25 {strides = array<i32>} : memref<32xi32, #tpu.memory_space<vmem>>, vector<16xi32>,
      %get3A_26 = arith.constant 16 : index
      %get3A_27 = tpu.vector_load %arg10[%get3A_26] {strides = array<i32>} : memref<32xi32, #tpu.memory_space<vmem>>, vector<16xi32>,
      %get3A_28 = vector.shape_cast %get3A_27 : vector<16xi32> to vector<16xi32>
      %add3A_29 = arith.constant 16 : i32
      %add3A_30 = arith.addi %rem3A_12, %add3A_29 : i32
      %iota3A_31 = tpu.iota {dimensions = array<i32: 0>} : vector<16xi32>
      %add3A_32 = vector.broadcast %add3A_30 : i32 to vector<16xi32>
      %add3A_33 = arith.addi %add3A_32, %iota3A_31 : vector<16xi32>
      %mul3A_34 = arith.constant 512 : i32
      %mul3A_35 = vector.broadcast %mul3A_34 : i32 to vector<16xi32>
      %mul3A_36 = arith.muli %mul3A_35, %get3A_28 : vector<16xi32>
      %add3A_37 = arith.addi %add3A_33, %mul3A_36 : vector<16xi32>
      %swap3A_38 = arith.constant 16 : index
      %swap3A_39 = tpu.vector_load %arg11[%swap3A_38] {strides = array<i32>} : memref<32xi32, #tpu.memory_space<vmem>>, vector<16xi32>,
      %swap3A_40 = vector.shape_cast %swap3A_39 : vector<16xi32> to vector<16xi32>
      %swap3A_41 = vector.shape_cast %add3A_37 : vector<16xi32> to vector<16xi32>
      tpu.vector_store %arg11[%swap3A_38], %swap3A_41 {strides = array<i32>} : memref<32xi32, #tpu.memory_space<vmem>>, vector<16xi32>,
      %dma_start3A = arith.constant 0 : i32
      %dma_start3A_42 = arith.constant 0 : i32
      %dma_start3A_43 = tpu.memref_slice %arg3[%dma_start3A, %dma_start3A_42] : memref<100000x768xf32, #tpu.memory_space<hbm>> -> memref<100000x768xf32, #tpu.memory_space<hbm>>
      tpu.enqueue_indirect_dma source(%dma_start3A_43 : memref<100000x768xf32, #tpu.memory_space<hbm>>) target(%arg12 : memref<32x768xf32, #tpu.memory_space<vmem>>) offsets(%arg9 : memref<32xi32, #tpu.memory_space<vmem>>) semaphore(%arg16 : memref<!tpu.dma_semaphore, #tpu.memory_space<semaphore_mem>>)
      %dma_start3A_44 = arith.constant 0 : i32
      %dma_start3A_45 = arith.constant 0 : i32
      %dma_start3A_46 = tpu.memref_slice %arg4[%dma_start3A_44, %dma_start3A_45] : memref<1024x768xf32, #tpu.memory_space<hbm>> -> memref<1024x768xf32, #tpu.memory_space<hbm>>
      tpu.enqueue_indirect_dma source(%dma_start3A_46 : memref<1024x768xf32, #tpu.memory_space<hbm>>) target(%arg13 : memref<32x768xf32, #tpu.memory_space<vmem>>) offsets(%arg11 : memref<32xi32, #tpu.memory_space<vmem>>) semaphore(%arg17 : memref<!tpu.dma_semaphore, #tpu.memory_space<semaphore_mem>>)
      %dma_wait3A = arith.constant 0 : i32
      %dma_wait3A_47 = arith.constant 0 : i32
      %dma_wait3A_48 = tpu.memref_slice %arg3[%dma_wait3A, %dma_wait3A_47] : memref<100000x768xf32, #tpu.memory_space<hbm>> -> memref<100000x768xf32, #tpu.memory_space<hbm>>
      tpu.wait_indirect_dma semaphore(%arg16 : memref<!tpu.dma_semaphore, #tpu.memory_space<semaphore_mem>>) src(%dma_wait3A_48 : memref<100000x768xf32, #tpu.memory_space<hbm>>) dst(%arg12 : memref<32x768xf32, #tpu.memory_space<vmem>>)
      %dma_wait3A_49 = arith.constant 0 : i32
      %dma_wait3A_50 = arith.constant 0 : i32
      %dma_wait3A_51 = tpu.memref_slice %arg4[%dma_wait3A_49, %dma_wait3A_50] : memref<1024x768xf32, #tpu.memory_space<hbm>> -> memref<1024x768xf32, #tpu.memory_space<hbm>>
      tpu.wait_indirect_dma semaphore(%arg17 : memref<!tpu.dma_semaphore, #tpu.memory_space<semaphore_mem>>) src(%dma_wait3A_51 : memref<1024x768xf32, #tpu.memory_space<hbm>>) dst(%arg13 : memref<32x768xf32, #tpu.memory_space<vmem>>)
      %scan3A_52 = arith.constant 0 : i32
      %scan3A_53 = arith.constant 0 : i32
      %scan3A_54 = arith.constant 32 : i32
      %scan3A_55 = arith.addi %scan3A_53, %scan3A_54 : i32
      %scan3A_56 = arith.constant 1 : i32
      %scan3A_57 = scf.for %scan3A_59 = %scan3A_53 to %scan3A_55 step %scan3A_56 iter_args(%scan3A_60 = %scan3A_52) -> (i32)  : i32 {
        %broadcast_in_dim3A = arith.constant 0.000000e+00 : f32
        %broadcast_in_dim3A_61 = vector.broadcast %broadcast_in_dim3A : f32 to vector<16xf32>
        %broadcast_in_dim3A_62 = arith.constant 0.000000e+00 : f32
        %broadcast_in_dim3A_63 = vector.broadcast %broadcast_in_dim3A_62 : f32 to vector<16xf32>
        %get3A_64 = arith.index_cast %scan3A_59 : i32 to index
        %get3A_65 = arith.constant 0 : index
        %get3A_66 = tpu.vector_load %arg12[%get3A_64, %get3A_65] {strides = array<i32>} : memref<32x768xf32, #tpu.memory_space<vmem>>, vector<1x16xf32>,
        %get3A_67 = vector.shape_cast %get3A_66 : vector<1x16xf32> to vector<16xf32>
        %get3A_68 = arith.index_cast %scan3A_59 : i32 to index
        %get3A_69 = arith.constant 0 : index
        %get3A_70 = tpu.vector_load %arg13[%get3A_68, %get3A_69] {strides = array<i32>} : memref<32x768xf32, #tpu.memory_space<vmem>>, vector<1x16xf32>,
        %get3A_71 = vector.shape_cast %get3A_70 : vector<1x16xf32> to vector<16xf32>
        %add3A_72 = arith.addf %get3A_67, %get3A_71 : vector<16xf32>
        %add3A_73 = arith.addf %broadcast_in_dim3A_61, %add3A_72 : vector<16xf32>
        %mul3A_74 = arith.mulf %add3A_72, %add3A_72 : vector<16xf32>
        %add3A_75 = arith.addf %broadcast_in_dim3A_63, %mul3A_74 : vector<16xf32>
        %get3A_76 = arith.index_cast %scan3A_59 : i32 to index
        %get3A_77 = arith.constant 16 : index
        %get3A_78 = tpu.vector_load %arg12[%get3A_76, %get3A_77] {strides = array<i32>} : memref<32x768xf32, #tpu.memory_space<vmem>>, vector<1x16xf32>,
        %get3A_79 = vector.shape_cast %get3A_78 : vector<1x16xf32> to vector<16xf32>
        %get3A_80 = arith.index_cast %scan3A_59 : i32 to index
        %get3A_81 = arith.constant 16 : index
        %get3A_82 = tpu.vector_load %arg13[%get3A_80, %get3A_81] {strides = array<i32>} : memref<32x768xf32, #tpu.memory_space<vmem>>, vector<1x16xf32>,
        %get3A_83 = vector.shape_cast %get3A_82 : vector<1x16xf32> to vector<16xf32>
        %add3A_84 = arith.addf %get3A_79, %get3A_83 : vector<16xf32>
        %add3A_85 = arith.addf %add3A_73, %add3A_84 : vector<16xf32>
        %mul3A_86 = arith.mulf %add3A_84, %add3A_84 : vector<16xf32>
        %add3A_87 = arith.addf %add3A_75, %mul3A_86 : vector<16xf32>
        %get3A_88 = arith.index_cast %scan3A_59 : i32 to index
        %get3A_89 = arith.constant 32 : index
        %get3A_90 = tpu.vector_load %arg12[%get3A_88, %get3A_89] {strides = array<i32>} : memref<32x768xf32, #tpu.memory_space<vmem>>, vector<1x16xf32>,
        %get3A_91 = vector.shape_cast %get3A_90 : vector<1x16xf32> to vector<16xf32>
        %get3A_92 = arith.index_cast %scan3A_59 : i32 to index
        %get3A_93 = arith.constant 32 : index
        %get3A_94 = tpu.vector_load %arg13[%get3A_92, %get3A_93] {strides = array<i32>} : memref<32x768xf32, #tpu.memory_space<vmem>>, vector<1x16xf32>,
        %get3A_95 = vector.shape_cast %get3A_94 : vector<1x16xf32> to vector<16xf32>
        %add3A_96 = arith.addf %get3A_91, %get3A_95 : vector<16xf32>
        %add3A_97 = arith.addf %add3A_85, %add3A_96 : vector<16xf32>
        %mul3A_98 = arith.mulf %add3A_96, %add3A_96 : vector<16xf32>
        %add3A_99 = arith.addf %add3A_87, %mul3A_98 : vector<16xf32>
        %get3A_100 = arith.index_cast %scan3A_59 : i32 to index
        %get3A_101 = arith.constant 48 : index
        %get3A_102 = tpu.vector_load %arg12[%get3A_100, %get3A_101] {strides = array<i32>} : memref<32x768xf32, #tpu.memory_space<vmem>>, vector<1x16xf32>,
        %get3A_103 = vector.shape_cast %get3A_102 : vector<1x16xf32> to vector<16xf32>
        %get3A_104 = arith.index_cast %scan3A_59 : i32 to index
        %get3A_105 = arith.constant 48 : index
        %get3A_106 = tpu.vector_load %arg13[%get3A_104, %get3A_105] {strides = array<i32>} : memref<32x768xf32, #tpu.memory_space<vmem>>, vector<1x16xf32>,
        %get3A_107 = vector.shape_cast %get3A_106 : vector<1x16xf32> to vector<16xf32>
        %add3A_108 = arith.addf %get3A_103, %get3A_107 : vector<16xf32>
        %add3A_109 = arith.addf %add3A_97, %add3A_108 : vector<16xf32>
        %mul3A_110 = arith.mulf %add3A_108, %add3A_108 : vector<16xf32>
        %add3A_111 = arith.addf %add3A_99, %mul3A_110 : vector<16xf32>
        %get3A_112 = arith.index_cast %scan3A_59 : i32 to index
        %get3A_113 = arith.constant 64 : index
        %get3A_114 = tpu.vector_load %arg12[%get3A_112, %get3A_113] {strides = array<i32>} : memref<32x768xf32, #tpu.memory_space<vmem>>, vector<1x16xf32>,
        %get3A_115 = vector.shape_cast %get3A_114 : vector<1x16xf32> to vector<16xf32>
        %get3A_116 = arith.index_cast %scan3A_59 : i32 to index
        %get3A_117 = arith.constant 64 : index
        %get3A_118 = tpu.vector_load %arg13[%get3A_116, %get3A_117] {strides = array<i32>} : memref<32x768xf32, #tpu.memory_space<vmem>>, vector<1x16xf32>,
        %get3A_119 = vector.shape_cast %get3A_118 : vector<1x16xf32> to vector<16xf32>
        %add3A_120 = arith.addf %get3A_115, %get3A_119 : vector<16xf32>
        %add3A_121 = arith.addf %add3A_109, %add3A_120 : vector<16xf32>
        %mul3A_122 = arith.mulf %add3A_120, %add3A_120 : vector<16xf32>
        %add3A_123 = arith.addf %add3A_111, %mul3A_122 : vector<16xf32>
        %get3A_124 = arith.index_cast %scan3A_59 : i32 to index
        %get3A_125 = arith.constant 80 : index
        %get3A_126 = tpu.vector_load %arg12[%get3A_124, %get3A_125] {strides = array<i32>} : memref<32x768xf32, #tpu.memory_space<vmem>>, vector<1x16xf32>,
        %get3A_127 = vector.shape_cast %get3A_126 : vector<1x16xf32> to vector<16xf32>
        %get3A_128 = arith.index_cast %scan3A_59 : i32 to index
        %get3A_129 = arith.constant 80 : index
        %get3A_130 = tpu.vector_load %arg13[%get3A_128, %get3A_129] {strides = array<i32>} : memref<32x768xf32, #tpu.memory_space<vmem>>, vector<1x16xf32>,
        %get3A_131 = vector.shape_cast %get3A_130 : vector<1x16xf32> to vector<16xf32>
        %add3A_132 = arith.addf %get3A_127, %get3A_131 : vector<16xf32>
        %add3A_133 = arith.addf %add3A_121, %add3A_132 : vector<16xf32>
        %mul3A_134 = arith.mulf %add3A_132, %add3A_132 : vector<16xf32>
        %add3A_135 = arith.addf %add3A_123, %mul3A_134 : vector<16xf32>
        %get3A_136 = arith.index_cast %scan3A_59 : i32 to index
        %get3A_137 = arith.constant 96 : index
        %get3A_138 = tpu.vector_load %arg12[%get3A_136, %get3A_137] {strides = array<i32>} : memref<32x768xf32, #tpu.memory_space<vmem>>, vector<1x16xf32>,
        %get3A_139 = vector.shape_cast %get3A_138 : vector<1x16xf32> to vector<16xf32>
        %get3A_140 = arith.index_cast %scan3A_59 : i32 to index
        %get3A_141 = arith.constant 96 : index
        %get3A_142 = tpu.vector_load %arg13[%get3A_140, %get3A_141] {strides = array<i32>} : memref<32x768xf32, #tpu.memory_space<vmem>>, vector<1x16xf32>,
        %get3A_143 = vector.shape_cast %get3A_142 : vector<1x16xf32> to vector<16xf32>
        %add3A_144 = arith.addf %get3A_139, %get3A_143 : vector<16xf32>
        %add3A_145 = arith.addf %add3A_133, %add3A_144 : vector<16xf32>
        %mul3A_146 = arith.mulf %add3A_144, %add3A_144 : vector<16xf32>
        %add3A_147 = arith.addf %add3A_135, %mul3A_146 : vector<16xf32>
        %get3A_148 = arith.index_cast %scan3A_59 : i32 to index
        %get3A_149 = arith.constant 112 : index
        %get3A_150 = tpu.vector_load %arg12[%get3A_148, %get3A_149] {strides = array<i32>} : memref<32x768xf32, #tpu.memory_space<vmem>>, vector<1x16xf32>,
        %get3A_151 = vector.shape_cast %get3A_150 : vector<1x16xf32> to vector<16xf32>
        %get3A_152 = arith.index_cast %scan3A_59 : i32 to index
        %get3A_153 = arith.constant 112 : index
        %get3A_154 = tpu.vector_load %arg13[%get3A_152, %get3A_153] {strides = array<i32>} : memref<32x768xf32, #tpu.memory_space<vmem>>, vector<1x16xf32>,
        %get3A_155 = vector.shape_cast %get3A_154 : vector<1x16xf32> to vector<16xf32>
        %add3A_156 = arith.addf %get3A_151, %get3A_155 : vector<16xf32>
        %add3A_157 = arith.addf %add3A_145, %add3A_156 : vector<16xf32>
        %mul3A_158 = arith.mulf %add3A_156, %add3A_156 : vector<16xf32>
        %add3A_159 = arith.addf %add3A_147, %mul3A_158 : vector<16xf32>
        %get3A_160 = arith.index_cast %scan3A_59 : i32 to index
        %get3A_161 = arith.constant 128 : index
        %get3A_162 = tpu.vector_load %arg12[%get3A_160, %get3A_161] {strides = array<i32>} : memref<32x768xf32, #tpu.memory_space<vmem>>, vector<1x16xf32>,
        %get3A_163 = vector.shape_cast %get3A_162 : vector<1x16xf32> to vector<16xf32>
        %get3A_164 = arith.index_cast %scan3A_59 : i32 to index
        %get3A_165 = arith.constant 128 : index
        %get3A_166 = tpu.vector_load %arg13[%get3A_164, %get3A_165] {strides = array<i32>} : memref<32x768xf32, #tpu.memory_space<vmem>>, vector<1x16xf32>,
        %get3A_167 = vector.shape_cast %get3A_166 : vector<1x16xf32> to vector<16xf32>
        %add3A_168 = arith.addf %get3A_163, %get3A_167 : vector<16xf32>
        %add3A_169 = arith.addf %add3A_157, %add3A_168 : vector<16xf32>
        %mul3A_170 = arith.mulf %add3A_168, %add3A_168 : vector<16xf32>
        %add3A_171 = arith.addf %add3A_159, %mul3A_170 : vector<16xf32>
        %get3A_172 = arith.index_cast %scan3A_59 : i32 to index
        %get3A_173 = arith.constant 144 : index
        %get3A_174 = tpu.vector_load %arg12[%get3A_172, %get3A_173] {strides = array<i32>} : memref<32x768xf32, #tpu.memory_space<vmem>>, vector<1x16xf32>,
        %get3A_175 = vector.shape_cast %get3A_174 : vector<1x16xf32> to vector<16xf32>
        %get3A_176 = arith.index_cast %scan3A_59 : i32 to index
        %get3A_177 = arith.constant 144 : index
        %get3A_178 = tpu.vector_load %arg13[%get3A_176, %get3A_177] {strides = array<i32>} : memref<32x768xf32, #tpu.memory_space<vmem>>, vector<1x16xf32>,
        %get3A_179 = vector.shape_cast %get3A_178 : vector<1x16xf32> to vector<16xf32>
        %add3A_180 = arith.addf %get3A_175, %get3A_179 : vector<16xf32>
        %add3A_181 = arith.addf %add3A_169, %add3A_180 : vector<16xf32>
        %mul3A_182 = arith.mulf %add3A_180, %add3A_180 : vector<16xf32>
        %add3A_183 = arith.addf %add3A_171, %mul3A_182 : vector<16xf32>
        %get3A_184 = arith.index_cast %scan3A_59 : i32 to index
        %get3A_185 = arith.constant 160 : index
        %get3A_186 = tpu.vector_load %arg12[%get3A_184, %get3A_185] {strides = array<i32>} : memref<32x768xf32, #tpu.memory_space<vmem>>, vector<1x16xf32>,
        %get3A_187 = vector.shape_cast %get3A_186 : vector<1x16xf32> to vector<16xf32>
        %get3A_188 = arith.index_cast %scan3A_59 : i32 to index
        %get3A_189 = arith.constant 160 : index
        %get3A_190 = tpu.vector_load %arg13[%get3A_188, %get3A_189] {strides = array<i32>} : memref<32x768xf32, #tpu.memory_space<vmem>>, vector<1x16xf32>,
        %get3A_191 = vector.shape_cast %get3A_190 : vector<1x16xf32> to vector<16xf32>
        %add3A_192 = arith.addf %get3A_187, %get3A_191 : vector<16xf32>
        %add3A_193 = arith.addf %add3A_181, %add3A_192 : vector<16xf32>
        %mul3A_194 = arith.mulf %add3A_192, %add3A_192 : vector<16xf32>
        %add3A_195 = arith.addf %add3A_183, %mul3A_194 : vector<16xf32>
        %get3A_196 = arith.index_cast %scan3A_59 : i32 to index
        %get3A_197 = arith.constant 176 : index
        %get3A_198 = tpu.vector_load %arg12[%get3A_196, %get3A_197] {strides = array<i32>} : memref<32x768xf32, #tpu.memory_space<vmem>>, vector<1x16xf32>,
        %get3A_199 = vector.shape_cast %get3A_198 : vector<1x16xf32> to vector<16xf32>
        %get3A_200 = arith.index_cast %scan3A_59 : i32 to index
        %get3A_201 = arith.constant 176 : index
        %get3A_202 = tpu.vector_load %arg13[%get3A_200, %get3A_201] {strides = array<i32>} : memref<32x768xf32, #tpu.memory_space<vmem>>, vector<1x16xf32>,
        %get3A_203 = vector.shape_cast %get3A_202 : vector<1x16xf32> to vector<16xf32>
        %add3A_204 = arith.addf %get3A_199, %get3A_203 : vector<16xf32>
        %add3A_205 = arith.addf %add3A_193, %add3A_204 : vector<16xf32>
        %mul3A_206 = arith.mulf %add3A_204, %add3A_204 : vector<16xf32>
        %add3A_207 = arith.addf %add3A_195, %mul3A_206 : vector<16xf32>
        %get3A_208 = arith.index_cast %scan3A_59 : i32 to index
        %get3A_209 = arith.constant 192 : index
        %get3A_210 = tpu.vector_load %arg12[%get3A_208, %get3A_209] {strides = array<i32>} : memref<32x768xf32, #tpu.memory_space<vmem>>, vector<1x16xf32>,
        %get3A_211 = vector.shape_cast %get3A_210 : vector<1x16xf32> to vector<16xf32>
        %get3A_212 = arith.index_cast %scan3A_59 : i32 to index
        %get3A_213 = arith.constant 192 : index
        %get3A_214 = tpu.vector_load %arg13[%get3A_212, %get3A_213] {strides = array<i32>} : memref<32x768xf32, #tpu.memory_space<vmem>>, vector<1x16xf32>,
        %get3A_215 = vector.shape_cast %get3A_214 : vector<1x16xf32> to vector<16xf32>
        %add3A_216 = arith.addf %get3A_211, %get3A_215 : vector<16xf32>
        %add3A_217 = arith.addf %add3A_205, %add3A_216 : vector<16xf32>
        %mul3A_218 = arith.mulf %add3A_216, %add3A_216 : vector<16xf32>
        %add3A_219 = arith.addf %add3A_207, %mul3A_218 : vector<16xf32>
        %get3A_220 = arith.index_cast %scan3A_59 : i32 to index
        %get3A_221 = arith.constant 208 : index
        %get3A_222 = tpu.vector_load %arg12[%get3A_220, %get3A_221] {strides = array<i32>} : memref<32x768xf32, #tpu.memory_space<vmem>>, vector<1x16xf32>,
        %get3A_223 = vector.shape_cast %get3A_222 : vector<1x16xf32> to vector<16xf32>
        %get3A_224 = arith.index_cast %scan3A_59 : i32 to index
        %get3A_225 = arith.constant 208 : index
        %get3A_226 = tpu.vector_load %arg13[%get3A_224, %get3A_225] {strides = array<i32>} : memref<32x768xf32, #tpu.memory_space<vmem>>, vector<1x16xf32>,
        %get3A_227 = vector.shape_cast %get3A_226 : vector<1x16xf32> to vector<16xf32>
        %add3A_228 = arith.addf %get3A_223, %get3A_227 : vector<16xf32>
        %add3A_229 = arith.addf %add3A_217, %add3A_228 : vector<16xf32>
        %mul3A_230 = arith.mulf %add3A_228, %add3A_228 : vector<16xf32>
        %add3A_231 = arith.addf %add3A_219, %mul3A_230 : vector<16xf32>
        %get3A_232 = arith.index_cast %scan3A_59 : i32 to index
        %get3A_233 = arith.constant 224 : index
        %get3A_234 = tpu.vector_load %arg12[%get3A_232, %get3A_233] {strides = array<i32>} : memref<32x768xf32, #tpu.memory_space<vmem>>, vector<1x16xf32>,
        %get3A_235 = vector.shape_cast %get3A_234 : vector<1x16xf32> to vector<16xf32>
        %get3A_236 = arith.index_cast %scan3A_59 : i32 to index
        %get3A_237 = arith.constant 224 : index
        %get3A_238 = tpu.vector_load %arg13[%get3A_236, %get3A_237] {strides = array<i32>} : memref<32x768xf32, #tpu.memory_space<vmem>>, vector<1x16xf32>,
        %get3A_239 = vector.shape_cast %get3A_238 : vector<1x16xf32> to vector<16xf32>
        %add3A_240 = arith.addf %get3A_235, %get3A_239 : vector<16xf32>
        %add3A_241 = arith.addf %add3A_229, %add3A_240 : vector<16xf32>
        %mul3A_242 = arith.mulf %add3A_240, %add3A_240 : vector<16xf32>
        %add3A_243 = arith.addf %add3A_231, %mul3A_242 : vector<16xf32>
        %get3A_244 = arith.index_cast %scan3A_59 : i32 to index
        %get3A_245 = arith.constant 240 : index
        %get3A_246 = tpu.vector_load %arg12[%get3A_244, %get3A_245] {strides = array<i32>} : memref<32x768xf32, #tpu.memory_space<vmem>>, vector<1x16xf32>,
        %get3A_247 = vector.shape_cast %get3A_246 : vector<1x16xf32> to vector<16xf32>
        %get3A_248 = arith.index_cast %scan3A_59 : i32 to index
        %get3A_249 = arith.constant 240 : index
        %get3A_250 = tpu.vector_load %arg13[%get3A_248, %get3A_249] {strides = array<i32>} : memref<32x768xf32, #tpu.memory_space<vmem>>, vector<1x16xf32>,
        %get3A_251 = vector.shape_cast %get3A_250 : vector<1x16xf32> to vector<16xf32>
        %add3A_252 = arith.addf %get3A_247, %get3A_251 : vector<16xf32>
        %add3A_253 = arith.addf %add3A_241, %add3A_252 : vector<16xf32>
        %mul3A_254 = arith.mulf %add3A_252, %add3A_252 : vector<16xf32>
        %add3A_255 = arith.addf %add3A_243, %mul3A_254 : vector<16xf32>
        %get3A_256 = arith.index_cast %scan3A_59 : i32 to index
        %get3A_257 = arith.constant 256 : index
        %get3A_258 = tpu.vector_load %arg12[%get3A_256, %get3A_257] {strides = array<i32>} : memref<32x768xf32, #tpu.memory_space<vmem>>, vector<1x16xf32>,
        %get3A_259 = vector.shape_cast %get3A_258 : vector<1x16xf32> to vector<16xf32>
        %get3A_260 = arith.index_cast %scan3A_59 : i32 to index
        %get3A_261 = arith.constant 256 : index
        %get3A_262 = tpu.vector_load %arg13[%get3A_260, %get3A_261] {strides = array<i32>} : memref<32x768xf32, #tpu.memory_space<vmem>>, vector<1x16xf32>,
        %get3A_263 = vector.shape_cast %get3A_262 : vector<1x16xf32> to vector<16xf32>
        %add3A_264 = arith.addf %get3A_259, %get3A_263 : vector<16xf32>
        %add3A_265 = arith.addf %add3A_253, %add3A_264 : vector<16xf32>
        %mul3A_266 = arith.mulf %add3A_264, %add3A_264 : vector<16xf32>
        %add3A_267 = arith.addf %add3A_255, %mul3A_266 : vector<16xf32>
        %get3A_268 = arith.index_cast %scan3A_59 : i32 to index
        %get3A_269 = arith.constant 272 : index
        %get3A_270 = tpu.vector_load %arg12[%get3A_268, %get3A_269] {strides = array<i32>} : memref<32x768xf32, #tpu.memory_space<vmem>>, vector<1x16xf32>,
        %get3A_271 = vector.shape_cast %get3A_270 : vector<1x16xf32> to vector<16xf32>
        %get3A_272 = arith.index_cast %scan3A_59 : i32 to index
        %get3A_273 = arith.constant 272 : index
        %get3A_274 = tpu.vector_load %arg13[%get3A_272, %get3A_273] {strides = array<i32>} : memref<32x768xf32, #tpu.memory_space<vmem>>, vector<1x16xf32>,
        %get3A_275 = vector.shape_cast %get3A_274 : vector<1x16xf32> to vector<16xf32>
        %add3A_276 = arith.addf %get3A_271, %get3A_275 : vector<16xf32>
        %add3A_277 = arith.addf %add3A_265, %add3A_276 : vector<16xf32>
        %mul3A_278 = arith.mulf %add3A_276, %add3A_276 : vector<16xf32>
        %add3A_279 = arith.addf %add3A_267, %mul3A_278 : vector<16xf32>
        %get3A_280 = arith.index_cast %scan3A_59 : i32 to index
        %get3A_281 = arith.constant 288 : index
        %get3A_282 = tpu.vector_load %arg12[%get3A_280, %get3A_281] {strides = array<i32>} : memref<32x768xf32, #tpu.memory_space<vmem>>, vector<1x16xf32>,
        %get3A_283 = vector.shape_cast %get3A_282 : vector<1x16xf32> to vector<16xf32>
        %get3A_284 = arith.index_cast %scan3A_59 : i32 to index
        %get3A_285 = arith.constant 288 : index
        %get3A_286 = tpu.vector_load %arg13[%get3A_284, %get3A_285] {strides = array<i32>} : memref<32x768xf32, #tpu.memory_space<vmem>>, vector<1x16xf32>,
        %get3A_287 = vector.shape_cast %get3A_286 : vector<1x16xf32> to vector<16xf32>
        %add3A_288 = arith.addf %get3A_283, %get3A_287 : vector<16xf32>
        %add3A_289 = arith.addf %add3A_277, %add3A_288 : vector<16xf32>
        %mul3A_290 = arith.mulf %add3A_288, %add3A_288 : vector<16xf32>
        %add3A_291 = arith.addf %add3A_279, %mul3A_290 : vector<16xf32>
        %get3A_292 = arith.index_cast %scan3A_59 : i32 to index
        %get3A_293 = arith.constant 304 : index
        %get3A_294 = tpu.vector_load %arg12[%get3A_292, %get3A_293] {strides = array<i32>} : memref<32x768xf32, #tpu.memory_space<vmem>>, vector<1x16xf32>,
        %get3A_295 = vector.shape_cast %get3A_294 : vector<1x16xf32> to vector<16xf32>
        %get3A_296 = arith.index_cast %scan3A_59 : i32 to index
        %get3A_297 = arith.constant 304 : index
        %get3A_298 = tpu.vector_load %arg13[%get3A_296, %get3A_297] {strides = array<i32>} : memref<32x768xf32, #tpu.memory_space<vmem>>, vector<1x16xf32>,
        %get3A_299 = vector.shape_cast %get3A_298 : vector<1x16xf32> to vector<16xf32>
        %add3A_300 = arith.addf %get3A_295, %get3A_299 : vector<16xf32>
        %add3A_301 = arith.addf %add3A_289, %add3A_300 : vector<16xf32>
        %mul3A_302 = arith.mulf %add3A_300, %add3A_300 : vector<16xf32>
        %add3A_303 = arith.addf %add3A_291, %mul3A_302 : vector<16xf32>
        %get3A_304 = arith.index_cast %scan3A_59 : i32 to index
        %get3A_305 = arith.constant 320 : index
        %get3A_306 = tpu.vector_load %arg12[%get3A_304, %get3A_305] {strides = array<i32>} : memref<32x768xf32, #tpu.memory_space<vmem>>, vector<1x16xf32>,
        %get3A_307 = vector.shape_cast %get3A_306 : vector<1x16xf32> to vector<16xf32>
        %get3A_308 = arith.index_cast %scan3A_59 : i32 to index
        %get3A_309 = arith.constant 320 : index
        %get3A_310 = tpu.vector_load %arg13[%get3A_308, %get3A_309] {strides = array<i32>} : memref<32x768xf32, #tpu.memory_space<vmem>>, vector<1x16xf32>,
        %get3A_311 = vector.shape_cast %get3A_310 : vector<1x16xf32> to vector<16xf32>
        %add3A_312 = arith.addf %get3A_307, %get3A_311 : vector<16xf32>
        %add3A_313 = arith.addf %add3A_301, %add3A_312 : vector<16xf32>
        %mul3A_314 = arith.mulf %add3A_312, %add3A_312 : vector<16xf32>
        %add3A_315 = arith.addf %add3A_303, %mul3A_314 : vector<16xf32>
        %get3A_316 = arith.index_cast %scan3A_59 : i32 to index
        %get3A_317 = arith.constant 336 : index
        %get3A_318 = tpu.vector_load %arg12[%get3A_316, %get3A_317] {strides = array<i32>} : memref<32x768xf32, #tpu.memory_space<vmem>>, vector<1x16xf32>,
        %get3A_319 = vector.shape_cast %get3A_318 : vector<1x16xf32> to vector<16xf32>
        %get3A_320 = arith.index_cast %scan3A_59 : i32 to index
        %get3A_321 = arith.constant 336 : index
        %get3A_322 = tpu.vector_load %arg13[%get3A_320, %get3A_321] {strides = array<i32>} : memref<32x768xf32, #tpu.memory_space<vmem>>, vector<1x16xf32>,
        %get3A_323 = vector.shape_cast %get3A_322 : vector<1x16xf32> to vector<16xf32>
        %add3A_324 = arith.addf %get3A_319, %get3A_323 : vector<16xf32>
        %add3A_325 = arith.addf %add3A_313, %add3A_324 : vector<16xf32>
        %mul3A_326 = arith.mulf %add3A_324, %add3A_324 : vector<16xf32>
        %add3A_327 = arith.addf %add3A_315, %mul3A_326 : vector<16xf32>
        %get3A_328 = arith.index_cast %scan3A_59 : i32 to index
        %get3A_329 = arith.constant 352 : index
        %get3A_330 = tpu.vector_load %arg12[%get3A_328, %get3A_329] {strides = array<i32>} : memref<32x768xf32, #tpu.memory_space<vmem>>, vector<1x16xf32>,
        %get3A_331 = vector.shape_cast %get3A_330 : vector<1x16xf32> to vector<16xf32>
        %get3A_332 = arith.index_cast %scan3A_59 : i32 to index
        %get3A_333 = arith.constant 352 : index
        %get3A_334 = tpu.vector_load %arg13[%get3A_332, %get3A_333] {strides = array<i32>} : memref<32x768xf32, #tpu.memory_space<vmem>>, vector<1x16xf32>,
        %get3A_335 = vector.shape_cast %get3A_334 : vector<1x16xf32> to vector<16xf32>
        %add3A_336 = arith.addf %get3A_331, %get3A_335 : vector<16xf32>
        %add3A_337 = arith.addf %add3A_325, %add3A_336 : vector<16xf32>
        %mul3A_338 = arith.mulf %add3A_336, %add3A_336 : vector<16xf32>
        %add3A_339 = arith.addf %add3A_327, %mul3A_338 : vector<16xf32>
        %get3A_340 = arith.index_cast %scan3A_59 : i32 to index
        %get3A_341 = arith.constant 368 : index
        %get3A_342 = tpu.vector_load %arg12[%get3A_340, %get3A_341] {strides = array<i32>} : memref<32x768xf32, #tpu.memory_space<vmem>>, vector<1x16xf32>,
        %get3A_343 = vector.shape_cast %get3A_342 : vector<1x16xf32> to vector<16xf32>
        %get3A_344 = arith.index_cast %scan3A_59 : i32 to index
        %get3A_345 = arith.constant 368 : index
        %get3A_346 = tpu.vector_load %arg13[%get3A_344, %get3A_345] {strides = array<i32>} : memref<32x768xf32, #tpu.memory_space<vmem>>, vector<1x16xf32>,
        %get3A_347 = vector.shape_cast %get3A_346 : vector<1x16xf32> to vector<16xf32>
        %add3A_348 = arith.addf %get3A_343, %get3A_347 : vector<16xf32>
        %add3A_349 = arith.addf %add3A_337, %add3A_348 : vector<16xf32>
        %mul3A_350 = arith.mulf %add3A_348, %add3A_348 : vector<16xf32>
        %add3A_351 = arith.addf %add3A_339, %mul3A_350 : vector<16xf32>
        %get3A_352 = arith.index_cast %scan3A_59 : i32 to index
        %get3A_353 = arith.constant 384 : index
        %get3A_354 = tpu.vector_load %arg12[%get3A_352, %get3A_353] {strides = array<i32>} : memref<32x768xf32, #tpu.memory_space<vmem>>, vector<1x16xf32>,
        %get3A_355 = vector.shape_cast %get3A_354 : vector<1x16xf32> to vector<16xf32>
        %get3A_356 = arith.index_cast %scan3A_59 : i32 to index
        %get3A_357 = arith.constant 384 : index
        %get3A_358 = tpu.vector_load %arg13[%get3A_356, %get3A_357] {strides = array<i32>} : memref<32x768xf32, #tpu.memory_space<vmem>>, vector<1x16xf32>,
        %get3A_359 = vector.shape_cast %get3A_358 : vector<1x16xf32> to vector<16xf32>
        %add3A_360 = arith.addf %get3A_355, %get3A_359 : vector<16xf32>
        %add3A_361 = arith.addf %add3A_349, %add3A_360 : vector<16xf32>
        %mul3A_362 = arith.mulf %add3A_360, %add3A_360 : vector<16xf32>
        %add3A_363 = arith.addf %add3A_351, %mul3A_362 : vector<16xf32>
        %get3A_364 = arith.index_cast %scan3A_59 : i32 to index
        %get3A_365 = arith.constant 400 : index
        %get3A_366 = tpu.vector_load %arg12[%get3A_364, %get3A_365] {strides = array<i32>} : memref<32x768xf32, #tpu.memory_space<vmem>>, vector<1x16xf32>,
        %get3A_367 = vector.shape_cast %get3A_366 : vector<1x16xf32> to vector<16xf32>
        %get3A_368 = arith.index_cast %scan3A_59 : i32 to index
        %get3A_369 = arith.constant 400 : index
        %get3A_370 = tpu.vector_load %arg13[%get3A_368, %get3A_369] {strides = array<i32>} : memref<32x768xf32, #tpu.memory_space<vmem>>, vector<1x16xf32>,
        %get3A_371 = vector.shape_cast %get3A_370 : vector<1x16xf32> to vector<16xf32>
        %add3A_372 = arith.addf %get3A_367, %get3A_371 : vector<16xf32>
        %add3A_373 = arith.addf %add3A_361, %add3A_372 : vector<16xf32>
        %mul3A_374 = arith.mulf %add3A_372, %add3A_372 : vector<16xf32>
        %add3A_375 = arith.addf %add3A_363, %mul3A_374 : vector<16xf32>
        %get3A_376 = arith.index_cast %scan3A_59 : i32 to index
        %get3A_377 = arith.constant 416 : index
        %get3A_378 = tpu.vector_load %arg12[%get3A_376, %get3A_377] {strides = array<i32>} : memref<32x768xf32, #tpu.memory_space<vmem>>, vector<1x16xf32>,
        %get3A_379 = vector.shape_cast %get3A_378 : vector<1x16xf32> to vector<16xf32>
        %get3A_380 = arith.index_cast %scan3A_59 : i32 to index
        %get3A_381 = arith.constant 416 : index
        %get3A_382 = tpu.vector_load %arg13[%get3A_380, %get3A_381] {strides = array<i32>} : memref<32x768xf32, #tpu.memory_space<vmem>>, vector<1x16xf32>,
        %get3A_383 = vector.shape_cast %get3A_382 : vector<1x16xf32> to vector<16xf32>
        %add3A_384 = arith.addf %get3A_379, %get3A_383 : vector<16xf32>
        %add3A_385 = arith.addf %add3A_373, %add3A_384 : vector<16xf32>
        %mul3A_386 = arith.mulf %add3A_384, %add3A_384 : vector<16xf32>
        %add3A_387 = arith.addf %add3A_375, %mul3A_386 : vector<16xf32>
        %get3A_388 = arith.index_cast %scan3A_59 : i32 to index
        %get3A_389 = arith.constant 432 : index
        %get3A_390 = tpu.vector_load %arg12[%get3A_388, %get3A_389] {strides = array<i32>} : memref<32x768xf32, #tpu.memory_space<vmem>>, vector<1x16xf32>,
        %get3A_391 = vector.shape_cast %get3A_390 : vector<1x16xf32> to vector<16xf32>
        %get3A_392 = arith.index_cast %scan3A_59 : i32 to index
        %get3A_393 = arith.constant 432 : index
        %get3A_394 = tpu.vector_load %arg13[%get3A_392, %get3A_393] {strides = array<i32>} : memref<32x768xf32, #tpu.memory_space<vmem>>, vector<1x16xf32>,
        %get3A_395 = vector.shape_cast %get3A_394 : vector<1x16xf32> to vector<16xf32>
        %add3A_396 = arith.addf %get3A_391, %get3A_395 : vector<16xf32>
        %add3A_397 = arith.addf %add3A_385, %add3A_396 : vector<16xf32>
        %mul3A_398 = arith.mulf %add3A_396, %add3A_396 : vector<16xf32>
        %add3A_399 = arith.addf %add3A_387, %mul3A_398 : vector<16xf32>
        %get3A_400 = arith.index_cast %scan3A_59 : i32 to index
        %get3A_401 = arith.constant 448 : index
        %get3A_402 = tpu.vector_load %arg12[%get3A_400, %get3A_401] {strides = array<i32>} : memref<32x768xf32, #tpu.memory_space<vmem>>, vector<1x16xf32>,
        %get3A_403 = vector.shape_cast %get3A_402 : vector<1x16xf32> to vector<16xf32>
        %get3A_404 = arith.index_cast %scan3A_59 : i32 to index
        %get3A_405 = arith.constant 448 : index
        %get3A_406 = tpu.vector_load %arg13[%get3A_404, %get3A_405] {strides = array<i32>} : memref<32x768xf32, #tpu.memory_space<vmem>>, vector<1x16xf32>,
        %get3A_407 = vector.shape_cast %get3A_406 : vector<1x16xf32> to vector<16xf32>
        %add3A_408 = arith.addf %get3A_403, %get3A_407 : vector<16xf32>
        %add3A_409 = arith.addf %add3A_397, %add3A_408 : vector<16xf32>
        %mul3A_410 = arith.mulf %add3A_408, %add3A_408 : vector<16xf32>
        %add3A_411 = arith.addf %add3A_399, %mul3A_410 : vector<16xf32>
        %get3A_412 = arith.index_cast %scan3A_59 : i32 to index
        %get3A_413 = arith.constant 464 : index
        %get3A_414 = tpu.vector_load %arg12[%get3A_412, %get3A_413] {strides = array<i32>} : memref<32x768xf32, #tpu.memory_space<vmem>>, vector<1x16xf32>,
        %get3A_415 = vector.shape_cast %get3A_414 : vector<1x16xf32> to vector<16xf32>
        %get3A_416 = arith.index_cast %scan3A_59 : i32 to index
        %get3A_417 = arith.constant 464 : index
        %get3A_418 = tpu.vector_load %arg13[%get3A_416, %get3A_417] {strides = array<i32>} : memref<32x768xf32, #tpu.memory_space<vmem>>, vector<1x16xf32>,
        %get3A_419 = vector.shape_cast %get3A_418 : vector<1x16xf32> to vector<16xf32>
        %add3A_420 = arith.addf %get3A_415, %get3A_419 : vector<16xf32>
        %add3A_421 = arith.addf %add3A_409, %add3A_420 : vector<16xf32>
        %mul3A_422 = arith.mulf %add3A_420, %add3A_420 : vector<16xf32>
        %add3A_423 = arith.addf %add3A_411, %mul3A_422 : vector<16xf32>
        %get3A_424 = arith.index_cast %scan3A_59 : i32 to index
        %get3A_425 = arith.constant 480 : index
        %get3A_426 = tpu.vector_load %arg12[%get3A_424, %get3A_425] {strides = array<i32>} : memref<32x768xf32, #tpu.memory_space<vmem>>, vector<1x16xf32>,
        %get3A_427 = vector.shape_cast %get3A_426 : vector<1x16xf32> to vector<16xf32>
        %get3A_428 = arith.index_cast %scan3A_59 : i32 to index
        %get3A_429 = arith.constant 480 : index
        %get3A_430 = tpu.vector_load %arg13[%get3A_428, %get3A_429] {strides = array<i32>} : memref<32x768xf32, #tpu.memory_space<vmem>>, vector<1x16xf32>,
        %get3A_431 = vector.shape_cast %get3A_430 : vector<1x16xf32> to vector<16xf32>
        %add3A_432 = arith.addf %get3A_427, %get3A_431 : vector<16xf32>
        %add3A_433 = arith.addf %add3A_421, %add3A_432 : vector<16xf32>
        %mul3A_434 = arith.mulf %add3A_432, %add3A_432 : vector<16xf32>
        %add3A_435 = arith.addf %add3A_423, %mul3A_434 : vector<16xf32>
        %get3A_436 = arith.index_cast %scan3A_59 : i32 to index
        %get3A_437 = arith.constant 496 : index
        %get3A_438 = tpu.vector_load %arg12[%get3A_436, %get3A_437] {strides = array<i32>} : memref<32x768xf32, #tpu.memory_space<vmem>>, vector<1x16xf32>,
        %get3A_439 = vector.shape_cast %get3A_438 : vector<1x16xf32> to vector<16xf32>
        %get3A_440 = arith.index_cast %scan3A_59 : i32 to index
        %get3A_441 = arith.constant 496 : index
        %get3A_442 = tpu.vector_load %arg13[%get3A_440, %get3A_441] {strides = array<i32>} : memref<32x768xf32, #tpu.memory_space<vmem>>, vector<1x16xf32>,
        %get3A_443 = vector.shape_cast %get3A_442 : vector<1x16xf32> to vector<16xf32>
        %add3A_444 = arith.addf %get3A_439, %get3A_443 : vector<16xf32>
        %add3A_445 = arith.addf %add3A_433, %add3A_444 : vector<16xf32>
        %mul3A_446 = arith.mulf %add3A_444, %add3A_444 : vector<16xf32>
        %add3A_447 = arith.addf %add3A_435, %mul3A_446 : vector<16xf32>
        %get3A_448 = arith.index_cast %scan3A_59 : i32 to index
        %get3A_449 = arith.constant 512 : index
        %get3A_450 = tpu.vector_load %arg12[%get3A_448, %get3A_449] {strides = array<i32>} : memref<32x768xf32, #tpu.memory_space<vmem>>, vector<1x16xf32>,
        %get3A_451 = vector.shape_cast %get3A_450 : vector<1x16xf32> to vector<16xf32>
        %get3A_452 = arith.index_cast %scan3A_59 : i32 to index
        %get3A_453 = arith.constant 512 : index
        %get3A_454 = tpu.vector_load %arg13[%get3A_452, %get3A_453] {strides = array<i32>} : memref<32x768xf32, #tpu.memory_space<vmem>>, vector<1x16xf32>,
        %get3A_455 = vector.shape_cast %get3A_454 : vector<1x16xf32> to vector<16xf32>
        %add3A_456 = arith.addf %get3A_451, %get3A_455 : vector<16xf32>
        %add3A_457 = arith.addf %add3A_445, %add3A_456 : vector<16xf32>
        %mul3A_458 = arith.mulf %add3A_456, %add3A_456 : vector<16xf32>
        %add3A_459 = arith.addf %add3A_447, %mul3A_458 : vector<16xf32>
        %get3A_460 = arith.index_cast %scan3A_59 : i32 to index
        %get3A_461 = arith.constant 528 : index
        %get3A_462 = tpu.vector_load %arg12[%get3A_460, %get3A_461] {strides = array<i32>} : memref<32x768xf32, #tpu.memory_space<vmem>>, vector<1x16xf32>,
        %get3A_463 = vector.shape_cast %get3A_462 : vector<1x16xf32> to vector<16xf32>
        %get3A_464 = arith.index_cast %scan3A_59 : i32 to index
        %get3A_465 = arith.constant 528 : index
        %get3A_466 = tpu.vector_load %arg13[%get3A_464, %get3A_465] {strides = array<i32>} : memref<32x768xf32, #tpu.memory_space<vmem>>, vector<1x16xf32>,
        %get3A_467 = vector.shape_cast %get3A_466 : vector<1x16xf32> to vector<16xf32>
        %add3A_468 = arith.addf %get3A_463, %get3A_467 : vector<16xf32>
        %add3A_469 = arith.addf %add3A_457, %add3A_468 : vector<16xf32>
        %mul3A_470 = arith.mulf %add3A_468, %add3A_468 : vector<16xf32>
        %add3A_471 = arith.addf %add3A_459, %mul3A_470 : vector<16xf32>
        %get3A_472 = arith.index_cast %scan3A_59 : i32 to index
        %get3A_473 = arith.constant 544 : index
        %get3A_474 = tpu.vector_load %arg12[%get3A_472, %get3A_473] {strides = array<i32>} : memref<32x768xf32, #tpu.memory_space<vmem>>, vector<1x16xf32>,
        %get3A_475 = vector.shape_cast %get3A_474 : vector<1x16xf32> to vector<16xf32>
        %get3A_476 = arith.index_cast %scan3A_59 : i32 to index
        %get3A_477 = arith.constant 544 : index
        %get3A_478 = tpu.vector_load %arg13[%get3A_476, %get3A_477] {strides = array<i32>} : memref<32x768xf32, #tpu.memory_space<vmem>>, vector<1x16xf32>,
        %get3A_479 = vector.shape_cast %get3A_478 : vector<1x16xf32> to vector<16xf32>
        %add3A_480 = arith.addf %get3A_475, %get3A_479 : vector<16xf32>
        %add3A_481 = arith.addf %add3A_469, %add3A_480 : vector<16xf32>
        %mul3A_482 = arith.mulf %add3A_480, %add3A_480 : vector<16xf32>
        %add3A_483 = arith.addf %add3A_471, %mul3A_482 : vector<16xf32>
        %get3A_484 = arith.index_cast %scan3A_59 : i32 to index
        %get3A_485 = arith.constant 560 : index
        %get3A_486 = tpu.vector_load %arg12[%get3A_484, %get3A_485] {strides = array<i32>} : memref<32x768xf32, #tpu.memory_space<vmem>>, vector<1x16xf32>,
        %get3A_487 = vector.shape_cast %get3A_486 : vector<1x16xf32> to vector<16xf32>
        %get3A_488 = arith.index_cast %scan3A_59 : i32 to index
        %get3A_489 = arith.constant 560 : index
        %get3A_490 = tpu.vector_load %arg13[%get3A_488, %get3A_489] {strides = array<i32>} : memref<32x768xf32, #tpu.memory_space<vmem>>, vector<1x16xf32>,
        %get3A_491 = vector.shape_cast %get3A_490 : vector<1x16xf32> to vector<16xf32>
        %add3A_492 = arith.addf %get3A_487, %get3A_491 : vector<16xf32>
        %add3A_493 = arith.addf %add3A_481, %add3A_492 : vector<16xf32>
        %mul3A_494 = arith.mulf %add3A_492, %add3A_492 : vector<16xf32>
        %add3A_495 = arith.addf %add3A_483, %mul3A_494 : vector<16xf32>
        %get3A_496 = arith.index_cast %scan3A_59 : i32 to index
        %get3A_497 = arith.constant 576 : index
        %get3A_498 = tpu.vector_load %arg12[%get3A_496, %get3A_497] {strides = array<i32>} : memref<32x768xf32, #tpu.memory_space<vmem>>, vector<1x16xf32>,
        %get3A_499 = vector.shape_cast %get3A_498 : vector<1x16xf32> to vector<16xf32>
        %get3A_500 = arith.index_cast %scan3A_59 : i32 to index
        %get3A_501 = arith.constant 576 : index
        %get3A_502 = tpu.vector_load %arg13[%get3A_500, %get3A_501] {strides = array<i32>} : memref<32x768xf32, #tpu.memory_space<vmem>>, vector<1x16xf32>,
        %get3A_503 = vector.shape_cast %get3A_502 : vector<1x16xf32> to vector<16xf32>
        %add3A_504 = arith.addf %get3A_499, %get3A_503 : vector<16xf32>
        %add3A_505 = arith.addf %add3A_493, %add3A_504 : vector<16xf32>
        %mul3A_506 = arith.mulf %add3A_504, %add3A_504 : vector<16xf32>
        %add3A_507 = arith.addf %add3A_495, %mul3A_506 : vector<16xf32>
        %get3A_508 = arith.index_cast %scan3A_59 : i32 to index
        %get3A_509 = arith.constant 592 : index
        %get3A_510 = tpu.vector_load %arg12[%get3A_508, %get3A_509] {strides = array<i32>} : memref<32x768xf32, #tpu.memory_space<vmem>>, vector<1x16xf32>,
        %get3A_511 = vector.shape_cast %get3A_510 : vector<1x16xf32> to vector<16xf32>
        %get3A_512 = arith.index_cast %scan3A_59 : i32 to index
        %get3A_513 = arith.constant 592 : index
        %get3A_514 = tpu.vector_load %arg13[%get3A_512, %get3A_513] {strides = array<i32>} : memref<32x768xf32, #tpu.memory_space<vmem>>, vector<1x16xf32>,
        %get3A_515 = vector.shape_cast %get3A_514 : vector<1x16xf32> to vector<16xf32>
        %add3A_516 = arith.addf %get3A_511, %get3A_515 : vector<16xf32>
        %add3A_517 = arith.addf %add3A_505, %add3A_516 : vector<16xf32>
        %mul3A_518 = arith.mulf %add3A_516, %add3A_516 : vector<16xf32>
        %add3A_519 = arith.addf %add3A_507, %mul3A_518 : vector<16xf32>
        %get3A_520 = arith.index_cast %scan3A_59 : i32 to index
        %get3A_521 = arith.constant 608 : index
        %get3A_522 = tpu.vector_load %arg12[%get3A_520, %get3A_521] {strides = array<i32>} : memref<32x768xf32, #tpu.memory_space<vmem>>, vector<1x16xf32>,
        %get3A_523 = vector.shape_cast %get3A_522 : vector<1x16xf32> to vector<16xf32>
        %get3A_524 = arith.index_cast %scan3A_59 : i32 to index
        %get3A_525 = arith.constant 608 : index
        %get3A_526 = tpu.vector_load %arg13[%get3A_524, %get3A_525] {strides = array<i32>} : memref<32x768xf32, #tpu.memory_space<vmem>>, vector<1x16xf32>,
        %get3A_527 = vector.shape_cast %get3A_526 : vector<1x16xf32> to vector<16xf32>
        %add3A_528 = arith.addf %get3A_523, %get3A_527 : vector<16xf32>
        %add3A_529 = arith.addf %add3A_517, %add3A_528 : vector<16xf32>
        %mul3A_530 = arith.mulf %add3A_528, %add3A_528 : vector<16xf32>
        %add3A_531 = arith.addf %add3A_519, %mul3A_530 : vector<16xf32>
        %get3A_532 = arith.index_cast %scan3A_59 : i32 to index
        %get3A_533 = arith.constant 624 : index
        %get3A_534 = tpu.vector_load %arg12[%get3A_532, %get3A_533] {strides = array<i32>} : memref<32x768xf32, #tpu.memory_space<vmem>>, vector<1x16xf32>,
        %get3A_535 = vector.shape_cast %get3A_534 : vector<1x16xf32> to vector<16xf32>
        %get3A_536 = arith.index_cast %scan3A_59 : i32 to index
        %get3A_537 = arith.constant 624 : index
        %get3A_538 = tpu.vector_load %arg13[%get3A_536, %get3A_537] {strides = array<i32>} : memref<32x768xf32, #tpu.memory_space<vmem>>, vector<1x16xf32>,
        %get3A_539 = vector.shape_cast %get3A_538 : vector<1x16xf32> to vector<16xf32>
        %add3A_540 = arith.addf %get3A_535, %get3A_539 : vector<16xf32>
        %add3A_541 = arith.addf %add3A_529, %add3A_540 : vector<16xf32>
        %mul3A_542 = arith.mulf %add3A_540, %add3A_540 : vector<16xf32>
        %add3A_543 = arith.addf %add3A_531, %mul3A_542 : vector<16xf32>
        %get3A_544 = arith.index_cast %scan3A_59 : i32 to index
        %get3A_545 = arith.constant 640 : index
        %get3A_546 = tpu.vector_load %arg12[%get3A_544, %get3A_545] {strides = array<i32>} : memref<32x768xf32, #tpu.memory_space<vmem>>, vector<1x16xf32>,
        %get3A_547 = vector.shape_cast %get3A_546 : vector<1x16xf32> to vector<16xf32>
        %get3A_548 = arith.index_cast %scan3A_59 : i32 to index
        %get3A_549 = arith.constant 640 : index
        %get3A_550 = tpu.vector_load %arg13[%get3A_548, %get3A_549] {strides = array<i32>} : memref<32x768xf32, #tpu.memory_space<vmem>>, vector<1x16xf32>,
        %get3A_551 = vector.shape_cast %get3A_550 : vector<1x16xf32> to vector<16xf32>
        %add3A_552 = arith.addf %get3A_547, %get3A_551 : vector<16xf32>
        %add3A_553 = arith.addf %add3A_541, %add3A_552 : vector<16xf32>
        %mul3A_554 = arith.mulf %add3A_552, %add3A_552 : vector<16xf32>
        %add3A_555 = arith.addf %add3A_543, %mul3A_554 : vector<16xf32>
        %get3A_556 = arith.index_cast %scan3A_59 : i32 to index
        %get3A_557 = arith.constant 656 : index
        %get3A_558 = tpu.vector_load %arg12[%get3A_556, %get3A_557] {strides = array<i32>} : memref<32x768xf32, #tpu.memory_space<vmem>>, vector<1x16xf32>,
        %get3A_559 = vector.shape_cast %get3A_558 : vector<1x16xf32> to vector<16xf32>
        %get3A_560 = arith.index_cast %scan3A_59 : i32 to index
        %get3A_561 = arith.constant 656 : index
        %get3A_562 = tpu.vector_load %arg13[%get3A_560, %get3A_561] {strides = array<i32>} : memref<32x768xf32, #tpu.memory_space<vmem>>, vector<1x16xf32>,
        %get3A_563 = vector.shape_cast %get3A_562 : vector<1x16xf32> to vector<16xf32>
        %add3A_564 = arith.addf %get3A_559, %get3A_563 : vector<16xf32>
        %add3A_565 = arith.addf %add3A_553, %add3A_564 : vector<16xf32>
        %mul3A_566 = arith.mulf %add3A_564, %add3A_564 : vector<16xf32>
        %add3A_567 = arith.addf %add3A_555, %mul3A_566 : vector<16xf32>
        %get3A_568 = arith.index_cast %scan3A_59 : i32 to index
        %get3A_569 = arith.constant 672 : index
        %get3A_570 = tpu.vector_load %arg12[%get3A_568, %get3A_569] {strides = array<i32>} : memref<32x768xf32, #tpu.memory_space<vmem>>, vector<1x16xf32>,
        %get3A_571 = vector.shape_cast %get3A_570 : vector<1x16xf32> to vector<16xf32>
        %get3A_572 = arith.index_cast %scan3A_59 : i32 to index
        %get3A_573 = arith.constant 672 : index
        %get3A_574 = tpu.vector_load %arg13[%get3A_572, %get3A_573] {strides = array<i32>} : memref<32x768xf32, #tpu.memory_space<vmem>>, vector<1x16xf32>,
        %get3A_575 = vector.shape_cast %get3A_574 : vector<1x16xf32> to vector<16xf32>
        %add3A_576 = arith.addf %get3A_571, %get3A_575 : vector<16xf32>
        %add3A_577 = arith.addf %add3A_565, %add3A_576 : vector<16xf32>
        %mul3A_578 = arith.mulf %add3A_576, %add3A_576 : vector<16xf32>
        %add3A_579 = arith.addf %add3A_567, %mul3A_578 : vector<16xf32>
        %get3A_580 = arith.index_cast %scan3A_59 : i32 to index
        %get3A_581 = arith.constant 688 : index
        %get3A_582 = tpu.vector_load %arg12[%get3A_580, %get3A_581] {strides = array<i32>} : memref<32x768xf32, #tpu.memory_space<vmem>>, vector<1x16xf32>,
        %get3A_583 = vector.shape_cast %get3A_582 : vector<1x16xf32> to vector<16xf32>
        %get3A_584 = arith.index_cast %scan3A_59 : i32 to index
        %get3A_585 = arith.constant 688 : index
        %get3A_586 = tpu.vector_load %arg13[%get3A_584, %get3A_585] {strides = array<i32>} : memref<32x768xf32, #tpu.memory_space<vmem>>, vector<1x16xf32>,
        %get3A_587 = vector.shape_cast %get3A_586 : vector<1x16xf32> to vector<16xf32>
        %add3A_588 = arith.addf %get3A_583, %get3A_587 : vector<16xf32>
        %add3A_589 = arith.addf %add3A_577, %add3A_588 : vector<16xf32>
        %mul3A_590 = arith.mulf %add3A_588, %add3A_588 : vector<16xf32>
        %add3A_591 = arith.addf %add3A_579, %mul3A_590 : vector<16xf32>
        %get3A_592 = arith.index_cast %scan3A_59 : i32 to index
        %get3A_593 = arith.constant 704 : index
        %get3A_594 = tpu.vector_load %arg12[%get3A_592, %get3A_593] {strides = array<i32>} : memref<32x768xf32, #tpu.memory_space<vmem>>, vector<1x16xf32>,
        %get3A_595 = vector.shape_cast %get3A_594 : vector<1x16xf32> to vector<16xf32>
        %get3A_596 = arith.index_cast %scan3A_59 : i32 to index
        %get3A_597 = arith.constant 704 : index
        %get3A_598 = tpu.vector_load %arg13[%get3A_596, %get3A_597] {strides = array<i32>} : memref<32x768xf32, #tpu.memory_space<vmem>>, vector<1x16xf32>,
        %get3A_599 = vector.shape_cast %get3A_598 : vector<1x16xf32> to vector<16xf32>
        %add3A_600 = arith.addf %get3A_595, %get3A_599 : vector<16xf32>
        %add3A_601 = arith.addf %add3A_589, %add3A_600 : vector<16xf32>
        %mul3A_602 = arith.mulf %add3A_600, %add3A_600 : vector<16xf32>
        %add3A_603 = arith.addf %add3A_591, %mul3A_602 : vector<16xf32>
        %get3A_604 = arith.index_cast %scan3A_59 : i32 to index
        %get3A_605 = arith.constant 720 : index
        %get3A_606 = tpu.vector_load %arg12[%get3A_604, %get3A_605] {strides = array<i32>} : memref<32x768xf32, #tpu.memory_space<vmem>>, vector<1x16xf32>,
        %get3A_607 = vector.shape_cast %get3A_606 : vector<1x16xf32> to vector<16xf32>
        %get3A_608 = arith.index_cast %scan3A_59 : i32 to index
        %get3A_609 = arith.constant 720 : index
        %get3A_610 = tpu.vector_load %arg13[%get3A_608, %get3A_609] {strides = array<i32>} : memref<32x768xf32, #tpu.memory_space<vmem>>, vector<1x16xf32>,
        %get3A_611 = vector.shape_cast %get3A_610 : vector<1x16xf32> to vector<16xf32>
        %add3A_612 = arith.addf %get3A_607, %get3A_611 : vector<16xf32>
        %add3A_613 = arith.addf %add3A_601, %add3A_612 : vector<16xf32>
        %mul3A_614 = arith.mulf %add3A_612, %add3A_612 : vector<16xf32>
        %add3A_615 = arith.addf %add3A_603, %mul3A_614 : vector<16xf32>
        %get3A_616 = arith.index_cast %scan3A_59 : i32 to index
        %get3A_617 = arith.constant 736 : index
        %get3A_618 = tpu.vector_load %arg12[%get3A_616, %get3A_617] {strides = array<i32>} : memref<32x768xf32, #tpu.memory_space<vmem>>, vector<1x16xf32>,
        %get3A_619 = vector.shape_cast %get3A_618 : vector<1x16xf32> to vector<16xf32>
        %get3A_620 = arith.index_cast %scan3A_59 : i32 to index
        %get3A_621 = arith.constant 736 : index
        %get3A_622 = tpu.vector_load %arg13[%get3A_620, %get3A_621] {strides = array<i32>} : memref<32x768xf32, #tpu.memory_space<vmem>>, vector<1x16xf32>,
        %get3A_623 = vector.shape_cast %get3A_622 : vector<1x16xf32> to vector<16xf32>
        %add3A_624 = arith.addf %get3A_619, %get3A_623 : vector<16xf32>
        %add3A_625 = arith.addf %add3A_613, %add3A_624 : vector<16xf32>
        %mul3A_626 = arith.mulf %add3A_624, %add3A_624 : vector<16xf32>
        %add3A_627 = arith.addf %add3A_615, %mul3A_626 : vector<16xf32>
        %get3A_628 = arith.index_cast %scan3A_59 : i32 to index
        %get3A_629 = arith.constant 752 : index
        %get3A_630 = tpu.vector_load %arg12[%get3A_628, %get3A_629] {strides = array<i32>} : memref<32x768xf32, #tpu.memory_space<vmem>>, vector<1x16xf32>,
        %get3A_631 = vector.shape_cast %get3A_630 : vector<1x16xf32> to vector<16xf32>
        %get3A_632 = arith.index_cast %scan3A_59 : i32 to index
        %get3A_633 = arith.constant 752 : index
        %get3A_634 = tpu.vector_load %arg13[%get3A_632, %get3A_633] {strides = array<i32>} : memref<32x768xf32, #tpu.memory_space<vmem>>, vector<1x16xf32>,
        %get3A_635 = vector.shape_cast %get3A_634 : vector<1x16xf32> to vector<16xf32>
        %add3A_636 = arith.addf %get3A_631, %get3A_635 : vector<16xf32>
        %add3A_637 = arith.addf %add3A_625, %add3A_636 : vector<16xf32>
        %mul3A_638 = arith.mulf %add3A_636, %add3A_636 : vector<16xf32>
        %add3A_639 = arith.addf %add3A_627, %mul3A_638 : vector<16xf32>
        %iota3A_640 = tpu.iota {dimensions = array<i32: 0>} : vector<16xi32>
        %xor3A = arith.constant 1 : i32
        %xor3A_641 = vector.broadcast %xor3A : i32 to vector<16xi32>
        %xor3A_642 = arith.xori %iota3A_640, %xor3A_641 : vector<16xi32>
        %broadcast_in_dim3A_643 = vector.shape_cast %xor3A_642 : vector<16xi32> to vector<16x1xi32>
        %gather3A = vector.shape_cast %broadcast_in_dim3A_643 : vector<16x1xi32> to vector<16xi32>
        %gather3A_644 = tpu.dynamic_gather %add3A_637[%gather3A] in [0] : vector<16xf32>, vector<16xi32> -> vector<16xf32>
        %add3A_645 = arith.addf %add3A_637, %gather3A_644 : vector<16xf32>
        %iota3A_646 = tpu.iota {dimensions = array<i32: 0>} : vector<16xi32>
        %xor3A_647 = arith.constant 2 : i32
        %xor3A_648 = vector.broadcast %xor3A_647 : i32 to vector<16xi32>
        %xor3A_649 = arith.xori %iota3A_646, %xor3A_648 : vector<16xi32>
        %broadcast_in_dim3A_650 = vector.shape_cast %xor3A_649 : vector<16xi32> to vector<16x1xi32>
        %gather3A_651 = vector.shape_cast %broadcast_in_dim3A_650 : vector<16x1xi32> to vector<16xi32>
        %gather3A_652 = tpu.dynamic_gather %add3A_645[%gather3A_651] in [0] : vector<16xf32>, vector<16xi32> -> vector<16xf32>
        %add3A_653 = arith.addf %add3A_645, %gather3A_652 : vector<16xf32>
        %iota3A_654 = tpu.iota {dimensions = array<i32: 0>} : vector<16xi32>
        %xor3A_655 = arith.constant 4 : i32
        %xor3A_656 = vector.broadcast %xor3A_655 : i32 to vector<16xi32>
        %xor3A_657 = arith.xori %iota3A_654, %xor3A_656 : vector<16xi32>
        %broadcast_in_dim3A_658 = vector.shape_cast %xor3A_657 : vector<16xi32> to vector<16x1xi32>
        %gather3A_659 = vector.shape_cast %broadcast_in_dim3A_658 : vector<16x1xi32> to vector<16xi32>
        %gather3A_660 = tpu.dynamic_gather %add3A_653[%gather3A_659] in [0] : vector<16xf32>, vector<16xi32> -> vector<16xf32>
        %add3A_661 = arith.addf %add3A_653, %gather3A_660 : vector<16xf32>
        %iota3A_662 = tpu.iota {dimensions = array<i32: 0>} : vector<16xi32>
        %xor3A_663 = arith.constant 8 : i32
        %xor3A_664 = vector.broadcast %xor3A_663 : i32 to vector<16xi32>
        %xor3A_665 = arith.xori %iota3A_662, %xor3A_664 : vector<16xi32>
        %broadcast_in_dim3A_666 = vector.shape_cast %xor3A_665 : vector<16xi32> to vector<16x1xi32>
        %gather3A_667 = vector.shape_cast %broadcast_in_dim3A_666 : vector<16x1xi32> to vector<16xi32>
        %gather3A_668 = tpu.dynamic_gather %add3A_661[%gather3A_667] in [0] : vector<16xf32>, vector<16xi32> -> vector<16xf32>
        %add3A_669 = arith.addf %add3A_661, %gather3A_668 : vector<16xf32>
        %mul3A_670 = arith.constant 0.00130208337 : f32
        %mul3A_671 = vector.broadcast %mul3A_670 : f32 to vector<16xf32>
        %mul3A_672 = arith.mulf %add3A_669, %mul3A_671 : vector<16xf32>
        %iota3A_673 = tpu.iota {dimensions = array<i32: 0>} : vector<16xi32>
        %xor3A_674 = arith.constant 1 : i32
        %xor3A_675 = vector.broadcast %xor3A_674 : i32 to vector<16xi32>
        %xor3A_676 = arith.xori %iota3A_673, %xor3A_675 : vector<16xi32>
        %broadcast_in_dim3A_677 = vector.shape_cast %xor3A_676 : vector<16xi32> to vector<16x1xi32>
        %gather3A_678 = vector.shape_cast %broadcast_in_dim3A_677 : vector<16x1xi32> to vector<16xi32>
        %gather3A_679 = tpu.dynamic_gather %add3A_639[%gather3A_678] in [0] : vector<16xf32>, vector<16xi32> -> vector<16xf32>
        %add3A_680 = arith.addf %add3A_639, %gather3A_679 : vector<16xf32>
        %iota3A_681 = tpu.iota {dimensions = array<i32: 0>} : vector<16xi32>
        %xor3A_682 = arith.constant 2 : i32
        %xor3A_683 = vector.broadcast %xor3A_682 : i32 to vector<16xi32>
        %xor3A_684 = arith.xori %iota3A_681, %xor3A_683 : vector<16xi32>
        %broadcast_in_dim3A_685 = vector.shape_cast %xor3A_684 : vector<16xi32> to vector<16x1xi32>
        %gather3A_686 = vector.shape_cast %broadcast_in_dim3A_685 : vector<16x1xi32> to vector<16xi32>
        %gather3A_687 = tpu.dynamic_gather %add3A_680[%gather3A_686] in [0] : vector<16xf32>, vector<16xi32> -> vector<16xf32>
        %add3A_688 = arith.addf %add3A_680, %gather3A_687 : vector<16xf32>
        %iota3A_689 = tpu.iota {dimensions = array<i32: 0>} : vector<16xi32>
        %xor3A_690 = arith.constant 4 : i32
        %xor3A_691 = vector.broadcast %xor3A_690 : i32 to vector<16xi32>
        %xor3A_692 = arith.xori %iota3A_689, %xor3A_691 : vector<16xi32>
        %broadcast_in_dim3A_693 = vector.shape_cast %xor3A_692 : vector<16xi32> to vector<16x1xi32>
        %gather3A_694 = vector.shape_cast %broadcast_in_dim3A_693 : vector<16x1xi32> to vector<16xi32>
        %gather3A_695 = tpu.dynamic_gather %add3A_688[%gather3A_694] in [0] : vector<16xf32>, vector<16xi32> -> vector<16xf32>
        %add3A_696 = arith.addf %add3A_688, %gather3A_695 : vector<16xf32>
        %iota3A_697 = tpu.iota {dimensions = array<i32: 0>} : vector<16xi32>
        %xor3A_698 = arith.constant 8 : i32
        %xor3A_699 = vector.broadcast %xor3A_698 : i32 to vector<16xi32>
        %xor3A_700 = arith.xori %iota3A_697, %xor3A_699 : vector<16xi32>
        %broadcast_in_dim3A_701 = vector.shape_cast %xor3A_700 : vector<16xi32> to vector<16x1xi32>
        %gather3A_702 = vector.shape_cast %broadcast_in_dim3A_701 : vector<16x1xi32> to vector<16xi32>
        %gather3A_703 = tpu.dynamic_gather %add3A_696[%gather3A_702] in [0] : vector<16xf32>, vector<16xi32> -> vector<16xf32>
        %add3A_704 = arith.addf %add3A_696, %gather3A_703 : vector<16xf32>
        %mul3A_705 = arith.constant 0.00130208337 : f32
        %mul3A_706 = vector.broadcast %mul3A_705 : f32 to vector<16xf32>
        %mul3A_707 = arith.mulf %add3A_704, %mul3A_706 : vector<16xf32>
        %mul3A_708 = arith.mulf %mul3A_672, %mul3A_672 : vector<16xf32>
        %sub3A = arith.subf %mul3A_707, %mul3A_708 : vector<16xf32>
        %add3A_709 = arith.constant 9.99999996E-13 : f32
        %add3A_710 = vector.broadcast %add3A_709 : f32 to vector<16xf32>
        %add3A_711 = arith.addf %sub3A, %add3A_710 : vector<16xf32>
        %bitcast_convert_type3A = tpu.bitcast %add3A_711 : vector<16xf32> -> vector<16xi32>
        %shift_right_logical3A = arith.constant 1 : i32
        %shift_right_logical3A_712 = vector.broadcast %shift_right_logical3A : i32 to vector<16xi32>
        %shift_right_logical3A_713 = arith.shrui %bitcast_convert_type3A, %shift_right_logical3A_712 : vector<16xi32>
        %sub3A_714 = arith.constant 1597463007 : i32
        %sub3A_715 = vector.broadcast %sub3A_714 : i32 to vector<16xi32>
        %sub3A_716 = arith.subi %sub3A_715, %shift_right_logical3A_713 : vector<16xi32>
        %bitcast_convert_type3A_717 = tpu.bitcast %sub3A_716 : vector<16xi32> -> vector<16xf32>
        %mul3A_718 = arith.constant 5.000000e-01 : f32
        %mul3A_719 = vector.broadcast %mul3A_718 : f32 to vector<16xf32>
        %mul3A_720 = arith.mulf %mul3A_719, %add3A_711 : vector<16xf32>
        %mul3A_721 = arith.mulf %mul3A_720, %bitcast_convert_type3A_717 : vector<16xf32>
        %mul3A_722 = arith.mulf %mul3A_721, %bitcast_convert_type3A_717 : vector<16xf32>
        %sub3A_723 = arith.constant 1.500000e+00 : f32
        %sub3A_724 = vector.broadcast %sub3A_723 : f32 to vector<16xf32>
        %sub3A_725 = arith.subf %sub3A_724, %mul3A_722 : vector<16xf32>
        %mul3A_726 = arith.mulf %bitcast_convert_type3A_717, %sub3A_725 : vector<16xf32>
        %mul3A_727 = arith.constant 5.000000e-01 : f32
        %mul3A_728 = vector.broadcast %mul3A_727 : f32 to vector<16xf32>
        %mul3A_729 = arith.mulf %mul3A_728, %add3A_711 : vector<16xf32>
        %mul3A_730 = arith.mulf %mul3A_729, %mul3A_726 : vector<16xf32>
        %mul3A_731 = arith.mulf %mul3A_730, %mul3A_726 : vector<16xf32>
        %sub3A_732 = arith.constant 1.500000e+00 : f32
        %sub3A_733 = vector.broadcast %sub3A_732 : f32 to vector<16xf32>
        %sub3A_734 = arith.subf %sub3A_733, %mul3A_731 : vector<16xf32>
        %mul3A_735 = arith.mulf %mul3A_726, %sub3A_734 : vector<16xf32>
        %mul3A_736 = arith.constant 5.000000e-01 : f32
        %mul3A_737 = vector.broadcast %mul3A_736 : f32 to vector<16xf32>
        %mul3A_738 = arith.mulf %mul3A_737, %add3A_711 : vector<16xf32>
        %mul3A_739 = arith.mulf %mul3A_738, %mul3A_735 : vector<16xf32>
        %mul3A_740 = arith.mulf %mul3A_739, %mul3A_735 : vector<16xf32>
        %sub3A_741 = arith.constant 1.500000e+00 : f32
        %sub3A_742 = vector.broadcast %sub3A_741 : f32 to vector<16xf32>
        %sub3A_743 = arith.subf %sub3A_742, %mul3A_740 : vector<16xf32>
        %mul3A_744 = arith.mulf %mul3A_735, %sub3A_743 : vector<16xf32>
        %get3A_745 = arith.constant 0 : index
        %get3A_746 = tpu.vector_load %arg14[%get3A_745] {strides = array<i32>} : memref<768xf32, #tpu.memory_space<vmem>>, vector<16xf32>,
        %get3A_747 = vector.shape_cast %get3A_746 : vector<16xf32> to vector<16xf32>
        %get3A_748 = arith.constant 0 : index
        %get3A_749 = tpu.vector_load %arg15[%get3A_748] {strides = array<i32>} : memref<768xf32, #tpu.memory_space<vmem>>, vector<16xf32>,
        %get3A_750 = vector.shape_cast %get3A_749 : vector<16xf32> to vector<16xf32>
        %sub3A_751 = arith.subf %add3A_72, %mul3A_672 : vector<16xf32>
        %mul3A_752 = arith.mulf %sub3A_751, %mul3A_744 : vector<16xf32>
        %mul3A_753 = arith.mulf %mul3A_752, %get3A_747 : vector<16xf32>
        %add3A_754 = arith.addf %mul3A_753, %get3A_750 : vector<16xf32>
        %swap3A_755 = arith.index_cast %scan3A_59 : i32 to index
        %swap3A_756 = arith.constant 0 : index
        %swap3A_757 = tpu.vector_load %arg13[%swap3A_755, %swap3A_756] {strides = array<i32>} : memref<32x768xf32, #tpu.memory_space<vmem>>, vector<1x16xf32>,
        %swap3A_758 = vector.shape_cast %swap3A_757 : vector<1x16xf32> to vector<16xf32>
        %swap3A_759 = vector.shape_cast %add3A_754 : vector<16xf32> to vector<1x16xf32>
        tpu.vector_store %arg13[%swap3A_755, %swap3A_756], %swap3A_759 {strides = array<i32>} : memref<32x768xf32, #tpu.memory_space<vmem>>, vector<1x16xf32>,
        %get3A_760 = arith.constant 16 : index
        %get3A_761 = tpu.vector_load %arg14[%get3A_760] {strides = array<i32>} : memref<768xf32, #tpu.memory_space<vmem>>, vector<16xf32>,
        %get3A_762 = vector.shape_cast %get3A_761 : vector<16xf32> to vector<16xf32>
        %get3A_763 = arith.constant 16 : index
        %get3A_764 = tpu.vector_load %arg15[%get3A_763] {strides = array<i32>} : memref<768xf32, #tpu.memory_space<vmem>>, vector<16xf32>,
        %get3A_765 = vector.shape_cast %get3A_764 : vector<16xf32> to vector<16xf32>
        %sub3A_766 = arith.subf %add3A_84, %mul3A_672 : vector<16xf32>
        %mul3A_767 = arith.mulf %sub3A_766, %mul3A_744 : vector<16xf32>
        %mul3A_768 = arith.mulf %mul3A_767, %get3A_762 : vector<16xf32>
        %add3A_769 = arith.addf %mul3A_768, %get3A_765 : vector<16xf32>
        %swap3A_770 = arith.index_cast %scan3A_59 : i32 to index
        %swap3A_771 = arith.constant 16 : index
        %swap3A_772 = tpu.vector_load %arg13[%swap3A_770, %swap3A_771] {strides = array<i32>} : memref<32x768xf32, #tpu.memory_space<vmem>>, vector<1x16xf32>,
        %swap3A_773 = vector.shape_cast %swap3A_772 : vector<1x16xf32> to vector<16xf32>
        %swap3A_774 = vector.shape_cast %add3A_769 : vector<16xf32> to vector<1x16xf32>
        tpu.vector_store %arg13[%swap3A_770, %swap3A_771], %swap3A_774 {strides = array<i32>} : memref<32x768xf32, #tpu.memory_space<vmem>>, vector<1x16xf32>,
        %get3A_775 = arith.constant 32 : index
        %get3A_776 = tpu.vector_load %arg14[%get3A_775] {strides = array<i32>} : memref<768xf32, #tpu.memory_space<vmem>>, vector<16xf32>,
        %get3A_777 = vector.shape_cast %get3A_776 : vector<16xf32> to vector<16xf32>
        %get3A_778 = arith.constant 32 : index
        %get3A_779 = tpu.vector_load %arg15[%get3A_778] {strides = array<i32>} : memref<768xf32, #tpu.memory_space<vmem>>, vector<16xf32>,
        %get3A_780 = vector.shape_cast %get3A_779 : vector<16xf32> to vector<16xf32>
        %sub3A_781 = arith.subf %add3A_96, %mul3A_672 : vector<16xf32>
        %mul3A_782 = arith.mulf %sub3A_781, %mul3A_744 : vector<16xf32>
        %mul3A_783 = arith.mulf %mul3A_782, %get3A_777 : vector<16xf32>
        %add3A_784 = arith.addf %mul3A_783, %get3A_780 : vector<16xf32>
        %swap3A_785 = arith.index_cast %scan3A_59 : i32 to index
        %swap3A_786 = arith.constant 32 : index
        %swap3A_787 = tpu.vector_load %arg13[%swap3A_785, %swap3A_786] {strides = array<i32>} : memref<32x768xf32, #tpu.memory_space<vmem>>, vector<1x16xf32>,
        %swap3A_788 = vector.shape_cast %swap3A_787 : vector<1x16xf32> to vector<16xf32>
        %swap3A_789 = vector.shape_cast %add3A_784 : vector<16xf32> to vector<1x16xf32>
        tpu.vector_store %arg13[%swap3A_785, %swap3A_786], %swap3A_789 {strides = array<i32>} : memref<32x768xf32, #tpu.memory_space<vmem>>, vector<1x16xf32>,
        %get3A_790 = arith.constant 48 : index
        %get3A_791 = tpu.vector_load %arg14[%get3A_790] {strides = array<i32>} : memref<768xf32, #tpu.memory_space<vmem>>, vector<16xf32>,
        %get3A_792 = vector.shape_cast %get3A_791 : vector<16xf32> to vector<16xf32>
        %get3A_793 = arith.constant 48 : index
        %get3A_794 = tpu.vector_load %arg15[%get3A_793] {strides = array<i32>} : memref<768xf32, #tpu.memory_space<vmem>>, vector<16xf32>,
        %get3A_795 = vector.shape_cast %get3A_794 : vector<16xf32> to vector<16xf32>
        %sub3A_796 = arith.subf %add3A_108, %mul3A_672 : vector<16xf32>
        %mul3A_797 = arith.mulf %sub3A_796, %mul3A_744 : vector<16xf32>
        %mul3A_798 = arith.mulf %mul3A_797, %get3A_792 : vector<16xf32>
        %add3A_799 = arith.addf %mul3A_798, %get3A_795 : vector<16xf32>
        %swap3A_800 = arith.index_cast %scan3A_59 : i32 to index
        %swap3A_801 = arith.constant 48 : index
        %swap3A_802 = tpu.vector_load %arg13[%swap3A_800, %swap3A_801] {strides = array<i32>} : memref<32x768xf32, #tpu.memory_space<vmem>>, vector<1x16xf32>,
        %swap3A_803 = vector.shape_cast %swap3A_802 : vector<1x16xf32> to vector<16xf32>
        %swap3A_804 = vector.shape_cast %add3A_799 : vector<16xf32> to vector<1x16xf32>
        tpu.vector_store %arg13[%swap3A_800, %swap3A_801], %swap3A_804 {strides = array<i32>} : memref<32x768xf32, #tpu.memory_space<vmem>>, vector<1x16xf32>,
        %get3A_805 = arith.constant 64 : index
        %get3A_806 = tpu.vector_load %arg14[%get3A_805] {strides = array<i32>} : memref<768xf32, #tpu.memory_space<vmem>>, vector<16xf32>,
        %get3A_807 = vector.shape_cast %get3A_806 : vector<16xf32> to vector<16xf32>
        %get3A_808 = arith.constant 64 : index
        %get3A_809 = tpu.vector_load %arg15[%get3A_808] {strides = array<i32>} : memref<768xf32, #tpu.memory_space<vmem>>, vector<16xf32>,
        %get3A_810 = vector.shape_cast %get3A_809 : vector<16xf32> to vector<16xf32>
        %sub3A_811 = arith.subf %add3A_120, %mul3A_672 : vector<16xf32>
        %mul3A_812 = arith.mulf %sub3A_811, %mul3A_744 : vector<16xf32>
        %mul3A_813 = arith.mulf %mul3A_812, %get3A_807 : vector<16xf32>
        %add3A_814 = arith.addf %mul3A_813, %get3A_810 : vector<16xf32>
        %swap3A_815 = arith.index_cast %scan3A_59 : i32 to index
        %swap3A_816 = arith.constant 64 : index
        %swap3A_817 = tpu.vector_load %arg13[%swap3A_815, %swap3A_816] {strides = array<i32>} : memref<32x768xf32, #tpu.memory_space<vmem>>, vector<1x16xf32>,
        %swap3A_818 = vector.shape_cast %swap3A_817 : vector<1x16xf32> to vector<16xf32>
        %swap3A_819 = vector.shape_cast %add3A_814 : vector<16xf32> to vector<1x16xf32>
        tpu.vector_store %arg13[%swap3A_815, %swap3A_816], %swap3A_819 {strides = array<i32>} : memref<32x768xf32, #tpu.memory_space<vmem>>, vector<1x16xf32>,
        %get3A_820 = arith.constant 80 : index
        %get3A_821 = tpu.vector_load %arg14[%get3A_820] {strides = array<i32>} : memref<768xf32, #tpu.memory_space<vmem>>, vector<16xf32>,
        %get3A_822 = vector.shape_cast %get3A_821 : vector<16xf32> to vector<16xf32>
        %get3A_823 = arith.constant 80 : index
        %get3A_824 = tpu.vector_load %arg15[%get3A_823] {strides = array<i32>} : memref<768xf32, #tpu.memory_space<vmem>>, vector<16xf32>,
        %get3A_825 = vector.shape_cast %get3A_824 : vector<16xf32> to vector<16xf32>
        %sub3A_826 = arith.subf %add3A_132, %mul3A_672 : vector<16xf32>
        %mul3A_827 = arith.mulf %sub3A_826, %mul3A_744 : vector<16xf32>
        %mul3A_828 = arith.mulf %mul3A_827, %get3A_822 : vector<16xf32>
        %add3A_829 = arith.addf %mul3A_828, %get3A_825 : vector<16xf32>
        %swap3A_830 = arith.index_cast %scan3A_59 : i32 to index
        %swap3A_831 = arith.constant 80 : index
        %swap3A_832 = tpu.vector_load %arg13[%swap3A_830, %swap3A_831] {strides = array<i32>} : memref<32x768xf32, #tpu.memory_space<vmem>>, vector<1x16xf32>,
        %swap3A_833 = vector.shape_cast %swap3A_832 : vector<1x16xf32> to vector<16xf32>
        %swap3A_834 = vector.shape_cast %add3A_829 : vector<16xf32> to vector<1x16xf32>
        tpu.vector_store %arg13[%swap3A_830, %swap3A_831], %swap3A_834 {strides = array<i32>} : memref<32x768xf32, #tpu.memory_space<vmem>>, vector<1x16xf32>,
        %get3A_835 = arith.constant 96 : index
        %get3A_836 = tpu.vector_load %arg14[%get3A_835] {strides = array<i32>} : memref<768xf32, #tpu.memory_space<vmem>>, vector<16xf32>,
        %get3A_837 = vector.shape_cast %get3A_836 : vector<16xf32> to vector<16xf32>
        %get3A_838 = arith.constant 96 : index
        %get3A_839 = tpu.vector_load %arg15[%get3A_838] {strides = array<i32>} : memref<768xf32, #tpu.memory_space<vmem>>, vector<16xf32>,
        %get3A_840 = vector.shape_cast %get3A_839 : vector<16xf32> to vector<16xf32>
        %sub3A_841 = arith.subf %add3A_144, %mul3A_672 : vector<16xf32>
        %mul3A_842 = arith.mulf %sub3A_841, %mul3A_744 : vector<16xf32>
        %mul3A_843 = arith.mulf %mul3A_842, %get3A_837 : vector<16xf32>
        %add3A_844 = arith.addf %mul3A_843, %get3A_840 : vector<16xf32>
        %swap3A_845 = arith.index_cast %scan3A_59 : i32 to index
        %swap3A_846 = arith.constant 96 : index
        %swap3A_847 = tpu.vector_load %arg13[%swap3A_845, %swap3A_846] {strides = array<i32>} : memref<32x768xf32, #tpu.memory_space<vmem>>, vector<1x16xf32>,
        %swap3A_848 = vector.shape_cast %swap3A_847 : vector<1x16xf32> to vector<16xf32>
        %swap3A_849 = vector.shape_cast %add3A_844 : vector<16xf32> to vector<1x16xf32>
        tpu.vector_store %arg13[%swap3A_845, %swap3A_846], %swap3A_849 {strides = array<i32>} : memref<32x768xf32, #tpu.memory_space<vmem>>, vector<1x16xf32>,
        %get3A_850 = arith.constant 112 : index
        %get3A_851 = tpu.vector_load %arg14[%get3A_850] {strides = array<i32>} : memref<768xf32, #tpu.memory_space<vmem>>, vector<16xf32>,
        %get3A_852 = vector.shape_cast %get3A_851 : vector<16xf32> to vector<16xf32>
        %get3A_853 = arith.constant 112 : index
        %get3A_854 = tpu.vector_load %arg15[%get3A_853] {strides = array<i32>} : memref<768xf32, #tpu.memory_space<vmem>>, vector<16xf32>,
        %get3A_855 = vector.shape_cast %get3A_854 : vector<16xf32> to vector<16xf32>
        %sub3A_856 = arith.subf %add3A_156, %mul3A_672 : vector<16xf32>
        %mul3A_857 = arith.mulf %sub3A_856, %mul3A_744 : vector<16xf32>
        %mul3A_858 = arith.mulf %mul3A_857, %get3A_852 : vector<16xf32>
        %add3A_859 = arith.addf %mul3A_858, %get3A_855 : vector<16xf32>
        %swap3A_860 = arith.index_cast %scan3A_59 : i32 to index
        %swap3A_861 = arith.constant 112 : index
        %swap3A_862 = tpu.vector_load %arg13[%swap3A_860, %swap3A_861] {strides = array<i32>} : memref<32x768xf32, #tpu.memory_space<vmem>>, vector<1x16xf32>,
        %swap3A_863 = vector.shape_cast %swap3A_862 : vector<1x16xf32> to vector<16xf32>
        %swap3A_864 = vector.shape_cast %add3A_859 : vector<16xf32> to vector<1x16xf32>
        tpu.vector_store %arg13[%swap3A_860, %swap3A_861], %swap3A_864 {strides = array<i32>} : memref<32x768xf32, #tpu.memory_space<vmem>>, vector<1x16xf32>,
        %get3A_865 = arith.constant 128 : index
        %get3A_866 = tpu.vector_load %arg14[%get3A_865] {strides = array<i32>} : memref<768xf32, #tpu.memory_space<vmem>>, vector<16xf32>,
        %get3A_867 = vector.shape_cast %get3A_866 : vector<16xf32> to vector<16xf32>
        %get3A_868 = arith.constant 128 : index
        %get3A_869 = tpu.vector_load %arg15[%get3A_868] {strides = array<i32>} : memref<768xf32, #tpu.memory_space<vmem>>, vector<16xf32>,
        %get3A_870 = vector.shape_cast %get3A_869 : vector<16xf32> to vector<16xf32>
        %sub3A_871 = arith.subf %add3A_168, %mul3A_672 : vector<16xf32>
        %mul3A_872 = arith.mulf %sub3A_871, %mul3A_744 : vector<16xf32>
        %mul3A_873 = arith.mulf %mul3A_872, %get3A_867 : vector<16xf32>
        %add3A_874 = arith.addf %mul3A_873, %get3A_870 : vector<16xf32>
        %swap3A_875 = arith.index_cast %scan3A_59 : i32 to index
        %swap3A_876 = arith.constant 128 : index
        %swap3A_877 = tpu.vector_load %arg13[%swap3A_875, %swap3A_876] {strides = array<i32>} : memref<32x768xf32, #tpu.memory_space<vmem>>, vector<1x16xf32>,
        %swap3A_878 = vector.shape_cast %swap3A_877 : vector<1x16xf32> to vector<16xf32>
        %swap3A_879 = vector.shape_cast %add3A_874 : vector<16xf32> to vector<1x16xf32>
        tpu.vector_store %arg13[%swap3A_875, %swap3A_876], %swap3A_879 {strides = array<i32>} : memref<32x768xf32, #tpu.memory_space<vmem>>, vector<1x16xf32>,
        %get3A_880 = arith.constant 144 : index
        %get3A_881 = tpu.vector_load %arg14[%get3A_880] {strides = array<i32>} : memref<768xf32, #tpu.memory_space<vmem>>, vector<16xf32>,
        %get3A_882 = vector.shape_cast %get3A_881 : vector<16xf32> to vector<16xf32>
        %get3A_883 = arith.constant 144 : index
        %get3A_884 = tpu.vector_load %arg15[%get3A_883] {strides = array<i32>} : memref<768xf32, #tpu.memory_space<vmem>>, vector<16xf32>,
        %get3A_885 = vector.shape_cast %get3A_884 : vector<16xf32> to vector<16xf32>
        %sub3A_886 = arith.subf %add3A_180, %mul3A_672 : vector<16xf32>
        %mul3A_887 = arith.mulf %sub3A_886, %mul3A_744 : vector<16xf32>
        %mul3A_888 = arith.mulf %mul3A_887, %get3A_882 : vector<16xf32>
        %add3A_889 = arith.addf %mul3A_888, %get3A_885 : vector<16xf32>
        %swap3A_890 = arith.index_cast %scan3A_59 : i32 to index
        %swap3A_891 = arith.constant 144 : index
        %swap3A_892 = tpu.vector_load %arg13[%swap3A_890, %swap3A_891] {strides = array<i32>} : memref<32x768xf32, #tpu.memory_space<vmem>>, vector<1x16xf32>,
        %swap3A_893 = vector.shape_cast %swap3A_892 : vector<1x16xf32> to vector<16xf32>
        %swap3A_894 = vector.shape_cast %add3A_889 : vector<16xf32> to vector<1x16xf32>
        tpu.vector_store %arg13[%swap3A_890, %swap3A_891], %swap3A_894 {strides = array<i32>} : memref<32x768xf32, #tpu.memory_space<vmem>>, vector<1x16xf32>,
        %get3A_895 = arith.constant 160 : index
        %get3A_896 = tpu.vector_load %arg14[%get3A_895] {strides = array<i32>} : memref<768xf32, #tpu.memory_space<vmem>>, vector<16xf32>,
        %get3A_897 = vector.shape_cast %get3A_896 : vector<16xf32> to vector<16xf32>
        %get3A_898 = arith.constant 160 : index
        %get3A_899 = tpu.vector_load %arg15[%get3A_898] {strides = array<i32>} : memref<768xf32, #tpu.memory_space<vmem>>, vector<16xf32>,
        %get3A_900 = vector.shape_cast %get3A_899 : vector<16xf32> to vector<16xf32>
        %sub3A_901 = arith.subf %add3A_192, %mul3A_672 : vector<16xf32>
        %mul3A_902 = arith.mulf %sub3A_901, %mul3A_744 : vector<16xf32>
        %mul3A_903 = arith.mulf %mul3A_902, %get3A_897 : vector<16xf32>
        %add3A_904 = arith.addf %mul3A_903, %get3A_900 : vector<16xf32>
        %swap3A_905 = arith.index_cast %scan3A_59 : i32 to index
        %swap3A_906 = arith.constant 160 : index
        %swap3A_907 = tpu.vector_load %arg13[%swap3A_905, %swap3A_906] {strides = array<i32>} : memref<32x768xf32, #tpu.memory_space<vmem>>, vector<1x16xf32>,
        %swap3A_908 = vector.shape_cast %swap3A_907 : vector<1x16xf32> to vector<16xf32>
        %swap3A_909 = vector.shape_cast %add3A_904 : vector<16xf32> to vector<1x16xf32>
        tpu.vector_store %arg13[%swap3A_905, %swap3A_906], %swap3A_909 {strides = array<i32>} : memref<32x768xf32, #tpu.memory_space<vmem>>, vector<1x16xf32>,
        %get3A_910 = arith.constant 176 : index
        %get3A_911 = tpu.vector_load %arg14[%get3A_910] {strides = array<i32>} : memref<768xf32, #tpu.memory_space<vmem>>, vector<16xf32>,
        %get3A_912 = vector.shape_cast %get3A_911 : vector<16xf32> to vector<16xf32>
        %get3A_913 = arith.constant 176 : index
        %get3A_914 = tpu.vector_load %arg15[%get3A_913] {strides = array<i32>} : memref<768xf32, #tpu.memory_space<vmem>>, vector<16xf32>,
        %get3A_915 = vector.shape_cast %get3A_914 : vector<16xf32> to vector<16xf32>
        %sub3A_916 = arith.subf %add3A_204, %mul3A_672 : vector<16xf32>
        %mul3A_917 = arith.mulf %sub3A_916, %mul3A_744 : vector<16xf32>
        %mul3A_918 = arith.mulf %mul3A_917, %get3A_912 : vector<16xf32>
        %add3A_919 = arith.addf %mul3A_918, %get3A_915 : vector<16xf32>
        %swap3A_920 = arith.index_cast %scan3A_59 : i32 to index
        %swap3A_921 = arith.constant 176 : index
        %swap3A_922 = tpu.vector_load %arg13[%swap3A_920, %swap3A_921] {strides = array<i32>} : memref<32x768xf32, #tpu.memory_space<vmem>>, vector<1x16xf32>,
        %swap3A_923 = vector.shape_cast %swap3A_922 : vector<1x16xf32> to vector<16xf32>
        %swap3A_924 = vector.shape_cast %add3A_919 : vector<16xf32> to vector<1x16xf32>
        tpu.vector_store %arg13[%swap3A_920, %swap3A_921], %swap3A_924 {strides = array<i32>} : memref<32x768xf32, #tpu.memory_space<vmem>>, vector<1x16xf32>,
        %get3A_925 = arith.constant 192 : index
        %get3A_926 = tpu.vector_load %arg14[%get3A_925] {strides = array<i32>} : memref<768xf32, #tpu.memory_space<vmem>>, vector<16xf32>,
        %get3A_927 = vector.shape_cast %get3A_926 : vector<16xf32> to vector<16xf32>
        %get3A_928 = arith.constant 192 : index
        %get3A_929 = tpu.vector_load %arg15[%get3A_928] {strides = array<i32>} : memref<768xf32, #tpu.memory_space<vmem>>, vector<16xf32>,
        %get3A_930 = vector.shape_cast %get3A_929 : vector<16xf32> to vector<16xf32>
        %sub3A_931 = arith.subf %add3A_216, %mul3A_672 : vector<16xf32>
        %mul3A_932 = arith.mulf %sub3A_931, %mul3A_744 : vector<16xf32>
        %mul3A_933 = arith.mulf %mul3A_932, %get3A_927 : vector<16xf32>
        %add3A_934 = arith.addf %mul3A_933, %get3A_930 : vector<16xf32>
        %swap3A_935 = arith.index_cast %scan3A_59 : i32 to index
        %swap3A_936 = arith.constant 192 : index
        %swap3A_937 = tpu.vector_load %arg13[%swap3A_935, %swap3A_936] {strides = array<i32>} : memref<32x768xf32, #tpu.memory_space<vmem>>, vector<1x16xf32>,
        %swap3A_938 = vector.shape_cast %swap3A_937 : vector<1x16xf32> to vector<16xf32>
        %swap3A_939 = vector.shape_cast %add3A_934 : vector<16xf32> to vector<1x16xf32>
        tpu.vector_store %arg13[%swap3A_935, %swap3A_936], %swap3A_939 {strides = array<i32>} : memref<32x768xf32, #tpu.memory_space<vmem>>, vector<1x16xf32>,
        %get3A_940 = arith.constant 208 : index
        %get3A_941 = tpu.vector_load %arg14[%get3A_940] {strides = array<i32>} : memref<768xf32, #tpu.memory_space<vmem>>, vector<16xf32>,
        %get3A_942 = vector.shape_cast %get3A_941 : vector<16xf32> to vector<16xf32>
        %get3A_943 = arith.constant 208 : index
        %get3A_944 = tpu.vector_load %arg15[%get3A_943] {strides = array<i32>} : memref<768xf32, #tpu.memory_space<vmem>>, vector<16xf32>,
        %get3A_945 = vector.shape_cast %get3A_944 : vector<16xf32> to vector<16xf32>
        %sub3A_946 = arith.subf %add3A_228, %mul3A_672 : vector<16xf32>
        %mul3A_947 = arith.mulf %sub3A_946, %mul3A_744 : vector<16xf32>
        %mul3A_948 = arith.mulf %mul3A_947, %get3A_942 : vector<16xf32>
        %add3A_949 = arith.addf %mul3A_948, %get3A_945 : vector<16xf32>
        %swap3A_950 = arith.index_cast %scan3A_59 : i32 to index
        %swap3A_951 = arith.constant 208 : index
        %swap3A_952 = tpu.vector_load %arg13[%swap3A_950, %swap3A_951] {strides = array<i32>} : memref<32x768xf32, #tpu.memory_space<vmem>>, vector<1x16xf32>,
        %swap3A_953 = vector.shape_cast %swap3A_952 : vector<1x16xf32> to vector<16xf32>
        %swap3A_954 = vector.shape_cast %add3A_949 : vector<16xf32> to vector<1x16xf32>
        tpu.vector_store %arg13[%swap3A_950, %swap3A_951], %swap3A_954 {strides = array<i32>} : memref<32x768xf32, #tpu.memory_space<vmem>>, vector<1x16xf32>,
        %get3A_955 = arith.constant 224 : index
        %get3A_956 = tpu.vector_load %arg14[%get3A_955] {strides = array<i32>} : memref<768xf32, #tpu.memory_space<vmem>>, vector<16xf32>,
        %get3A_957 = vector.shape_cast %get3A_956 : vector<16xf32> to vector<16xf32>
        %get3A_958 = arith.constant 224 : index
        %get3A_959 = tpu.vector_load %arg15[%get3A_958] {strides = array<i32>} : memref<768xf32, #tpu.memory_space<vmem>>, vector<16xf32>,
        %get3A_960 = vector.shape_cast %get3A_959 : vector<16xf32> to vector<16xf32>
        %sub3A_961 = arith.subf %add3A_240, %mul3A_672 : vector<16xf32>
        %mul3A_962 = arith.mulf %sub3A_961, %mul3A_744 : vector<16xf32>
        %mul3A_963 = arith.mulf %mul3A_962, %get3A_957 : vector<16xf32>
        %add3A_964 = arith.addf %mul3A_963, %get3A_960 : vector<16xf32>
        %swap3A_965 = arith.index_cast %scan3A_59 : i32 to index
        %swap3A_966 = arith.constant 224 : index
        %swap3A_967 = tpu.vector_load %arg13[%swap3A_965, %swap3A_966] {strides = array<i32>} : memref<32x768xf32, #tpu.memory_space<vmem>>, vector<1x16xf32>,
        %swap3A_968 = vector.shape_cast %swap3A_967 : vector<1x16xf32> to vector<16xf32>
        %swap3A_969 = vector.shape_cast %add3A_964 : vector<16xf32> to vector<1x16xf32>
        tpu.vector_store %arg13[%swap3A_965, %swap3A_966], %swap3A_969 {strides = array<i32>} : memref<32x768xf32, #tpu.memory_space<vmem>>, vector<1x16xf32>,
        %get3A_970 = arith.constant 240 : index
        %get3A_971 = tpu.vector_load %arg14[%get3A_970] {strides = array<i32>} : memref<768xf32, #tpu.memory_space<vmem>>, vector<16xf32>,
        %get3A_972 = vector.shape_cast %get3A_971 : vector<16xf32> to vector<16xf32>
        %get3A_973 = arith.constant 240 : index
        %get3A_974 = tpu.vector_load %arg15[%get3A_973] {strides = array<i32>} : memref<768xf32, #tpu.memory_space<vmem>>, vector<16xf32>,
        %get3A_975 = vector.shape_cast %get3A_974 : vector<16xf32> to vector<16xf32>
        %sub3A_976 = arith.subf %add3A_252, %mul3A_672 : vector<16xf32>
        %mul3A_977 = arith.mulf %sub3A_976, %mul3A_744 : vector<16xf32>
        %mul3A_978 = arith.mulf %mul3A_977, %get3A_972 : vector<16xf32>
        %add3A_979 = arith.addf %mul3A_978, %get3A_975 : vector<16xf32>
        %swap3A_980 = arith.index_cast %scan3A_59 : i32 to index
        %swap3A_981 = arith.constant 240 : index
        %swap3A_982 = tpu.vector_load %arg13[%swap3A_980, %swap3A_981] {strides = array<i32>} : memref<32x768xf32, #tpu.memory_space<vmem>>, vector<1x16xf32>,
        %swap3A_983 = vector.shape_cast %swap3A_982 : vector<1x16xf32> to vector<16xf32>
        %swap3A_984 = vector.shape_cast %add3A_979 : vector<16xf32> to vector<1x16xf32>
        tpu.vector_store %arg13[%swap3A_980, %swap3A_981], %swap3A_984 {strides = array<i32>} : memref<32x768xf32, #tpu.memory_space<vmem>>, vector<1x16xf32>,
        %get3A_985 = arith.constant 256 : index
        %get3A_986 = tpu.vector_load %arg14[%get3A_985] {strides = array<i32>} : memref<768xf32, #tpu.memory_space<vmem>>, vector<16xf32>,
        %get3A_987 = vector.shape_cast %get3A_986 : vector<16xf32> to vector<16xf32>
        %get3A_988 = arith.constant 256 : index
        %get3A_989 = tpu.vector_load %arg15[%get3A_988] {strides = array<i32>} : memref<768xf32, #tpu.memory_space<vmem>>, vector<16xf32>,
        %get3A_990 = vector.shape_cast %get3A_989 : vector<16xf32> to vector<16xf32>
        %sub3A_991 = arith.subf %add3A_264, %mul3A_672 : vector<16xf32>
        %mul3A_992 = arith.mulf %sub3A_991, %mul3A_744 : vector<16xf32>
        %mul3A_993 = arith.mulf %mul3A_992, %get3A_987 : vector<16xf32>
        %add3A_994 = arith.addf %mul3A_993, %get3A_990 : vector<16xf32>
        %swap3A_995 = arith.index_cast %scan3A_59 : i32 to index
        %swap3A_996 = arith.constant 256 : index
        %swap3A_997 = tpu.vector_load %arg13[%swap3A_995, %swap3A_996] {strides = array<i32>} : memref<32x768xf32, #tpu.memory_space<vmem>>, vector<1x16xf32>,
        %swap3A_998 = vector.shape_cast %swap3A_997 : vector<1x16xf32> to vector<16xf32>
        %swap3A_999 = vector.shape_cast %add3A_994 : vector<16xf32> to vector<1x16xf32>
        tpu.vector_store %arg13[%swap3A_995, %swap3A_996], %swap3A_999 {strides = array<i32>} : memref<32x768xf32, #tpu.memory_space<vmem>>, vector<1x16xf32>,
        %get3A_1000 = arith.constant 272 : index
        %get3A_1001 = tpu.vector_load %arg14[%get3A_1000] {strides = array<i32>} : memref<768xf32, #tpu.memory_space<vmem>>, vector<16xf32>,
        %get3A_1002 = vector.shape_cast %get3A_1001 : vector<16xf32> to vector<16xf32>
        %get3A_1003 = arith.constant 272 : index
        %get3A_1004 = tpu.vector_load %arg15[%get3A_1003] {strides = array<i32>} : memref<768xf32, #tpu.memory_space<vmem>>, vector<16xf32>,
        %get3A_1005 = vector.shape_cast %get3A_1004 : vector<16xf32> to vector<16xf32>
        %sub3A_1006 = arith.subf %add3A_276, %mul3A_672 : vector<16xf32>
        %mul3A_1007 = arith.mulf %sub3A_1006, %mul3A_744 : vector<16xf32>
        %mul3A_1008 = arith.mulf %mul3A_1007, %get3A_1002 : vector<16xf32>
        %add3A_1009 = arith.addf %mul3A_1008, %get3A_1005 : vector<16xf32>
        %swap3A_1010 = arith.index_cast %scan3A_59 : i32 to index
        %swap3A_1011 = arith.constant 272 : index
        %swap3A_1012 = tpu.vector_load %arg13[%swap3A_1010, %swap3A_1011] {strides = array<i32>} : memref<32x768xf32, #tpu.memory_space<vmem>>, vector<1x16xf32>,
        %swap3A_1013 = vector.shape_cast %swap3A_1012 : vector<1x16xf32> to vector<16xf32>
        %swap3A_1014 = vector.shape_cast %add3A_1009 : vector<16xf32> to vector<1x16xf32>
        tpu.vector_store %arg13[%swap3A_1010, %swap3A_1011], %swap3A_1014 {strides = array<i32>} : memref<32x768xf32, #tpu.memory_space<vmem>>, vector<1x16xf32>,
        %get3A_1015 = arith.constant 288 : index
        %get3A_1016 = tpu.vector_load %arg14[%get3A_1015] {strides = array<i32>} : memref<768xf32, #tpu.memory_space<vmem>>, vector<16xf32>,
        %get3A_1017 = vector.shape_cast %get3A_1016 : vector<16xf32> to vector<16xf32>
        %get3A_1018 = arith.constant 288 : index
        %get3A_1019 = tpu.vector_load %arg15[%get3A_1018] {strides = array<i32>} : memref<768xf32, #tpu.memory_space<vmem>>, vector<16xf32>,
        %get3A_1020 = vector.shape_cast %get3A_1019 : vector<16xf32> to vector<16xf32>
        %sub3A_1021 = arith.subf %add3A_288, %mul3A_672 : vector<16xf32>
        %mul3A_1022 = arith.mulf %sub3A_1021, %mul3A_744 : vector<16xf32>
        %mul3A_1023 = arith.mulf %mul3A_1022, %get3A_1017 : vector<16xf32>
        %add3A_1024 = arith.addf %mul3A_1023, %get3A_1020 : vector<16xf32>
        %swap3A_1025 = arith.index_cast %scan3A_59 : i32 to index
        %swap3A_1026 = arith.constant 288 : index
        %swap3A_1027 = tpu.vector_load %arg13[%swap3A_1025, %swap3A_1026] {strides = array<i32>} : memref<32x768xf32, #tpu.memory_space<vmem>>, vector<1x16xf32>,
        %swap3A_1028 = vector.shape_cast %swap3A_1027 : vector<1x16xf32> to vector<16xf32>
        %swap3A_1029 = vector.shape_cast %add3A_1024 : vector<16xf32> to vector<1x16xf32>
        tpu.vector_store %arg13[%swap3A_1025, %swap3A_1026], %swap3A_1029 {strides = array<i32>} : memref<32x768xf32, #tpu.memory_space<vmem>>, vector<1x16xf32>,
        %get3A_1030 = arith.constant 304 : index
        %get3A_1031 = tpu.vector_load %arg14[%get3A_1030] {strides = array<i32>} : memref<768xf32, #tpu.memory_space<vmem>>, vector<16xf32>,
        %get3A_1032 = vector.shape_cast %get3A_1031 : vector<16xf32> to vector<16xf32>
        %get3A_1033 = arith.constant 304 : index
        %get3A_1034 = tpu.vector_load %arg15[%get3A_1033] {strides = array<i32>} : memref<768xf32, #tpu.memory_space<vmem>>, vector<16xf32>,
        %get3A_1035 = vector.shape_cast %get3A_1034 : vector<16xf32> to vector<16xf32>
        %sub3A_1036 = arith.subf %add3A_300, %mul3A_672 : vector<16xf32>
        %mul3A_1037 = arith.mulf %sub3A_1036, %mul3A_744 : vector<16xf32>
        %mul3A_1038 = arith.mulf %mul3A_1037, %get3A_1032 : vector<16xf32>
        %add3A_1039 = arith.addf %mul3A_1038, %get3A_1035 : vector<16xf32>
        %swap3A_1040 = arith.index_cast %scan3A_59 : i32 to index
        %swap3A_1041 = arith.constant 304 : index
        %swap3A_1042 = tpu.vector_load %arg13[%swap3A_1040, %swap3A_1041] {strides = array<i32>} : memref<32x768xf32, #tpu.memory_space<vmem>>, vector<1x16xf32>,
        %swap3A_1043 = vector.shape_cast %swap3A_1042 : vector<1x16xf32> to vector<16xf32>
        %swap3A_1044 = vector.shape_cast %add3A_1039 : vector<16xf32> to vector<1x16xf32>
        tpu.vector_store %arg13[%swap3A_1040, %swap3A_1041], %swap3A_1044 {strides = array<i32>} : memref<32x768xf32, #tpu.memory_space<vmem>>, vector<1x16xf32>,
        %get3A_1045 = arith.constant 320 : index
        %get3A_1046 = tpu.vector_load %arg14[%get3A_1045] {strides = array<i32>} : memref<768xf32, #tpu.memory_space<vmem>>, vector<16xf32>,
        %get3A_1047 = vector.shape_cast %get3A_1046 : vector<16xf32> to vector<16xf32>
        %get3A_1048 = arith.constant 320 : index
        %get3A_1049 = tpu.vector_load %arg15[%get3A_1048] {strides = array<i32>} : memref<768xf32, #tpu.memory_space<vmem>>, vector<16xf32>,
        %get3A_1050 = vector.shape_cast %get3A_1049 : vector<16xf32> to vector<16xf32>
        %sub3A_1051 = arith.subf %add3A_312, %mul3A_672 : vector<16xf32>
        %mul3A_1052 = arith.mulf %sub3A_1051, %mul3A_744 : vector<16xf32>
        %mul3A_1053 = arith.mulf %mul3A_1052, %get3A_1047 : vector<16xf32>
        %add3A_1054 = arith.addf %mul3A_1053, %get3A_1050 : vector<16xf32>
        %swap3A_1055 = arith.index_cast %scan3A_59 : i32 to index
        %swap3A_1056 = arith.constant 320 : index
        %swap3A_1057 = tpu.vector_load %arg13[%swap3A_1055, %swap3A_1056] {strides = array<i32>} : memref<32x768xf32, #tpu.memory_space<vmem>>, vector<1x16xf32>,
        %swap3A_1058 = vector.shape_cast %swap3A_1057 : vector<1x16xf32> to vector<16xf32>
        %swap3A_1059 = vector.shape_cast %add3A_1054 : vector<16xf32> to vector<1x16xf32>
        tpu.vector_store %arg13[%swap3A_1055, %swap3A_1056], %swap3A_1059 {strides = array<i32>} : memref<32x768xf32, #tpu.memory_space<vmem>>, vector<1x16xf32>,
        %get3A_1060 = arith.constant 336 : index
        %get3A_1061 = tpu.vector_load %arg14[%get3A_1060] {strides = array<i32>} : memref<768xf32, #tpu.memory_space<vmem>>, vector<16xf32>,
        %get3A_1062 = vector.shape_cast %get3A_1061 : vector<16xf32> to vector<16xf32>
        %get3A_1063 = arith.constant 336 : index
        %get3A_1064 = tpu.vector_load %arg15[%get3A_1063] {strides = array<i32>} : memref<768xf32, #tpu.memory_space<vmem>>, vector<16xf32>,
        %get3A_1065 = vector.shape_cast %get3A_1064 : vector<16xf32> to vector<16xf32>
        %sub3A_1066 = arith.subf %add3A_324, %mul3A_672 : vector<16xf32>
        %mul3A_1067 = arith.mulf %sub3A_1066, %mul3A_744 : vector<16xf32>
        %mul3A_1068 = arith.mulf %mul3A_1067, %get3A_1062 : vector<16xf32>
        %add3A_1069 = arith.addf %mul3A_1068, %get3A_1065 : vector<16xf32>
        %swap3A_1070 = arith.index_cast %scan3A_59 : i32 to index
        %swap3A_1071 = arith.constant 336 : index
        %swap3A_1072 = tpu.vector_load %arg13[%swap3A_1070, %swap3A_1071] {strides = array<i32>} : memref<32x768xf32, #tpu.memory_space<vmem>>, vector<1x16xf32>,
        %swap3A_1073 = vector.shape_cast %swap3A_1072 : vector<1x16xf32> to vector<16xf32>
        %swap3A_1074 = vector.shape_cast %add3A_1069 : vector<16xf32> to vector<1x16xf32>
        tpu.vector_store %arg13[%swap3A_1070, %swap3A_1071], %swap3A_1074 {strides = array<i32>} : memref<32x768xf32, #tpu.memory_space<vmem>>, vector<1x16xf32>,
        %get3A_1075 = arith.constant 352 : index
        %get3A_1076 = tpu.vector_load %arg14[%get3A_1075] {strides = array<i32>} : memref<768xf32, #tpu.memory_space<vmem>>, vector<16xf32>,
        %get3A_1077 = vector.shape_cast %get3A_1076 : vector<16xf32> to vector<16xf32>
        %get3A_1078 = arith.constant 352 : index
        %get3A_1079 = tpu.vector_load %arg15[%get3A_1078] {strides = array<i32>} : memref<768xf32, #tpu.memory_space<vmem>>, vector<16xf32>,
        %get3A_1080 = vector.shape_cast %get3A_1079 : vector<16xf32> to vector<16xf32>
        %sub3A_1081 = arith.subf %add3A_336, %mul3A_672 : vector<16xf32>
        %mul3A_1082 = arith.mulf %sub3A_1081, %mul3A_744 : vector<16xf32>
        %mul3A_1083 = arith.mulf %mul3A_1082, %get3A_1077 : vector<16xf32>
        %add3A_1084 = arith.addf %mul3A_1083, %get3A_1080 : vector<16xf32>
        %swap3A_1085 = arith.index_cast %scan3A_59 : i32 to index
        %swap3A_1086 = arith.constant 352 : index
        %swap3A_1087 = tpu.vector_load %arg13[%swap3A_1085, %swap3A_1086] {strides = array<i32>} : memref<32x768xf32, #tpu.memory_space<vmem>>, vector<1x16xf32>,
        %swap3A_1088 = vector.shape_cast %swap3A_1087 : vector<1x16xf32> to vector<16xf32>
        %swap3A_1089 = vector.shape_cast %add3A_1084 : vector<16xf32> to vector<1x16xf32>
        tpu.vector_store %arg13[%swap3A_1085, %swap3A_1086], %swap3A_1089 {strides = array<i32>} : memref<32x768xf32, #tpu.memory_space<vmem>>, vector<1x16xf32>,
        %get3A_1090 = arith.constant 368 : index
        %get3A_1091 = tpu.vector_load %arg14[%get3A_1090] {strides = array<i32>} : memref<768xf32, #tpu.memory_space<vmem>>, vector<16xf32>,
        %get3A_1092 = vector.shape_cast %get3A_1091 : vector<16xf32> to vector<16xf32>
        %get3A_1093 = arith.constant 368 : index
        %get3A_1094 = tpu.vector_load %arg15[%get3A_1093] {strides = array<i32>} : memref<768xf32, #tpu.memory_space<vmem>>, vector<16xf32>,
        %get3A_1095 = vector.shape_cast %get3A_1094 : vector<16xf32> to vector<16xf32>
        %sub3A_1096 = arith.subf %add3A_348, %mul3A_672 : vector<16xf32>
        %mul3A_1097 = arith.mulf %sub3A_1096, %mul3A_744 : vector<16xf32>
        %mul3A_1098 = arith.mulf %mul3A_1097, %get3A_1092 : vector<16xf32>
        %add3A_1099 = arith.addf %mul3A_1098, %get3A_1095 : vector<16xf32>
        %swap3A_1100 = arith.index_cast %scan3A_59 : i32 to index
        %swap3A_1101 = arith.constant 368 : index
        %swap3A_1102 = tpu.vector_load %arg13[%swap3A_1100, %swap3A_1101] {strides = array<i32>} : memref<32x768xf32, #tpu.memory_space<vmem>>, vector<1x16xf32>,
        %swap3A_1103 = vector.shape_cast %swap3A_1102 : vector<1x16xf32> to vector<16xf32>
        %swap3A_1104 = vector.shape_cast %add3A_1099 : vector<16xf32> to vector<1x16xf32>
        tpu.vector_store %arg13[%swap3A_1100, %swap3A_1101], %swap3A_1104 {strides = array<i32>} : memref<32x768xf32, #tpu.memory_space<vmem>>, vector<1x16xf32>,
        %get3A_1105 = arith.constant 384 : index
        %get3A_1106 = tpu.vector_load %arg14[%get3A_1105] {strides = array<i32>} : memref<768xf32, #tpu.memory_space<vmem>>, vector<16xf32>,
        %get3A_1107 = vector.shape_cast %get3A_1106 : vector<16xf32> to vector<16xf32>
        %get3A_1108 = arith.constant 384 : index
        %get3A_1109 = tpu.vector_load %arg15[%get3A_1108] {strides = array<i32>} : memref<768xf32, #tpu.memory_space<vmem>>, vector<16xf32>,
        %get3A_1110 = vector.shape_cast %get3A_1109 : vector<16xf32> to vector<16xf32>
        %sub3A_1111 = arith.subf %add3A_360, %mul3A_672 : vector<16xf32>
        %mul3A_1112 = arith.mulf %sub3A_1111, %mul3A_744 : vector<16xf32>
        %mul3A_1113 = arith.mulf %mul3A_1112, %get3A_1107 : vector<16xf32>
        %add3A_1114 = arith.addf %mul3A_1113, %get3A_1110 : vector<16xf32>
        %swap3A_1115 = arith.index_cast %scan3A_59 : i32 to index
        %swap3A_1116 = arith.constant 384 : index
        %swap3A_1117 = tpu.vector_load %arg13[%swap3A_1115, %swap3A_1116] {strides = array<i32>} : memref<32x768xf32, #tpu.memory_space<vmem>>, vector<1x16xf32>,
        %swap3A_1118 = vector.shape_cast %swap3A_1117 : vector<1x16xf32> to vector<16xf32>
        %swap3A_1119 = vector.shape_cast %add3A_1114 : vector<16xf32> to vector<1x16xf32>
        tpu.vector_store %arg13[%swap3A_1115, %swap3A_1116], %swap3A_1119 {strides = array<i32>} : memref<32x768xf32, #tpu.memory_space<vmem>>, vector<1x16xf32>,
        %get3A_1120 = arith.constant 400 : index
        %get3A_1121 = tpu.vector_load %arg14[%get3A_1120] {strides = array<i32>} : memref<768xf32, #tpu.memory_space<vmem>>, vector<16xf32>,
        %get3A_1122 = vector.shape_cast %get3A_1121 : vector<16xf32> to vector<16xf32>
        %get3A_1123 = arith.constant 400 : index
        %get3A_1124 = tpu.vector_load %arg15[%get3A_1123] {strides = array<i32>} : memref<768xf32, #tpu.memory_space<vmem>>, vector<16xf32>,
        %get3A_1125 = vector.shape_cast %get3A_1124 : vector<16xf32> to vector<16xf32>
        %sub3A_1126 = arith.subf %add3A_372, %mul3A_672 : vector<16xf32>
        %mul3A_1127 = arith.mulf %sub3A_1126, %mul3A_744 : vector<16xf32>
        %mul3A_1128 = arith.mulf %mul3A_1127, %get3A_1122 : vector<16xf32>
        %add3A_1129 = arith.addf %mul3A_1128, %get3A_1125 : vector<16xf32>
        %swap3A_1130 = arith.index_cast %scan3A_59 : i32 to index
        %swap3A_1131 = arith.constant 400 : index
        %swap3A_1132 = tpu.vector_load %arg13[%swap3A_1130, %swap3A_1131] {strides = array<i32>} : memref<32x768xf32, #tpu.memory_space<vmem>>, vector<1x16xf32>,
        %swap3A_1133 = vector.shape_cast %swap3A_1132 : vector<1x16xf32> to vector<16xf32>
        %swap3A_1134 = vector.shape_cast %add3A_1129 : vector<16xf32> to vector<1x16xf32>
        tpu.vector_store %arg13[%swap3A_1130, %swap3A_1131], %swap3A_1134 {strides = array<i32>} : memref<32x768xf32, #tpu.memory_space<vmem>>, vector<1x16xf32>,
        %get3A_1135 = arith.constant 416 : index
        %get3A_1136 = tpu.vector_load %arg14[%get3A_1135] {strides = array<i32>} : memref<768xf32, #tpu.memory_space<vmem>>, vector<16xf32>,
        %get3A_1137 = vector.shape_cast %get3A_1136 : vector<16xf32> to vector<16xf32>
        %get3A_1138 = arith.constant 416 : index
        %get3A_1139 = tpu.vector_load %arg15[%get3A_1138] {strides = array<i32>} : memref<768xf32, #tpu.memory_space<vmem>>, vector<16xf32>,
        %get3A_1140 = vector.shape_cast %get3A_1139 : vector<16xf32> to vector<16xf32>
        %sub3A_1141 = arith.subf %add3A_384, %mul3A_672 : vector<16xf32>
        %mul3A_1142 = arith.mulf %sub3A_1141, %mul3A_744 : vector<16xf32>
        %mul3A_1143 = arith.mulf %mul3A_1142, %get3A_1137 : vector<16xf32>
        %add3A_1144 = arith.addf %mul3A_1143, %get3A_1140 : vector<16xf32>
        %swap3A_1145 = arith.index_cast %scan3A_59 : i32 to index
        %swap3A_1146 = arith.constant 416 : index
        %swap3A_1147 = tpu.vector_load %arg13[%swap3A_1145, %swap3A_1146] {strides = array<i32>} : memref<32x768xf32, #tpu.memory_space<vmem>>, vector<1x16xf32>,
        %swap3A_1148 = vector.shape_cast %swap3A_1147 : vector<1x16xf32> to vector<16xf32>
        %swap3A_1149 = vector.shape_cast %add3A_1144 : vector<16xf32> to vector<1x16xf32>
        tpu.vector_store %arg13[%swap3A_1145, %swap3A_1146], %swap3A_1149 {strides = array<i32>} : memref<32x768xf32, #tpu.memory_space<vmem>>, vector<1x16xf32>,
        %get3A_1150 = arith.constant 432 : index
        %get3A_1151 = tpu.vector_load %arg14[%get3A_1150] {strides = array<i32>} : memref<768xf32, #tpu.memory_space<vmem>>, vector<16xf32>,
        %get3A_1152 = vector.shape_cast %get3A_1151 : vector<16xf32> to vector<16xf32>
        %get3A_1153 = arith.constant 432 : index
        %get3A_1154 = tpu.vector_load %arg15[%get3A_1153] {strides = array<i32>} : memref<768xf32, #tpu.memory_space<vmem>>, vector<16xf32>,
        %get3A_1155 = vector.shape_cast %get3A_1154 : vector<16xf32> to vector<16xf32>
        %sub3A_1156 = arith.subf %add3A_396, %mul3A_672 : vector<16xf32>
        %mul3A_1157 = arith.mulf %sub3A_1156, %mul3A_744 : vector<16xf32>
        %mul3A_1158 = arith.mulf %mul3A_1157, %get3A_1152 : vector<16xf32>
        %add3A_1159 = arith.addf %mul3A_1158, %get3A_1155 : vector<16xf32>
        %swap3A_1160 = arith.index_cast %scan3A_59 : i32 to index
        %swap3A_1161 = arith.constant 432 : index
        %swap3A_1162 = tpu.vector_load %arg13[%swap3A_1160, %swap3A_1161] {strides = array<i32>} : memref<32x768xf32, #tpu.memory_space<vmem>>, vector<1x16xf32>,
        %swap3A_1163 = vector.shape_cast %swap3A_1162 : vector<1x16xf32> to vector<16xf32>
        %swap3A_1164 = vector.shape_cast %add3A_1159 : vector<16xf32> to vector<1x16xf32>
        tpu.vector_store %arg13[%swap3A_1160, %swap3A_1161], %swap3A_1164 {strides = array<i32>} : memref<32x768xf32, #tpu.memory_space<vmem>>, vector<1x16xf32>,
        %get3A_1165 = arith.constant 448 : index
        %get3A_1166 = tpu.vector_load %arg14[%get3A_1165] {strides = array<i32>} : memref<768xf32, #tpu.memory_space<vmem>>, vector<16xf32>,
        %get3A_1167 = vector.shape_cast %get3A_1166 : vector<16xf32> to vector<16xf32>
        %get3A_1168 = arith.constant 448 : index
        %get3A_1169 = tpu.vector_load %arg15[%get3A_1168] {strides = array<i32>} : memref<768xf32, #tpu.memory_space<vmem>>, vector<16xf32>,
        %get3A_1170 = vector.shape_cast %get3A_1169 : vector<16xf32> to vector<16xf32>
        %sub3A_1171 = arith.subf %add3A_408, %mul3A_672 : vector<16xf32>
        %mul3A_1172 = arith.mulf %sub3A_1171, %mul3A_744 : vector<16xf32>
        %mul3A_1173 = arith.mulf %mul3A_1172, %get3A_1167 : vector<16xf32>
        %add3A_1174 = arith.addf %mul3A_1173, %get3A_1170 : vector<16xf32>
        %swap3A_1175 = arith.index_cast %scan3A_59 : i32 to index
        %swap3A_1176 = arith.constant 448 : index
        %swap3A_1177 = tpu.vector_load %arg13[%swap3A_1175, %swap3A_1176] {strides = array<i32>} : memref<32x768xf32, #tpu.memory_space<vmem>>, vector<1x16xf32>,
        %swap3A_1178 = vector.shape_cast %swap3A_1177 : vector<1x16xf32> to vector<16xf32>
        %swap3A_1179 = vector.shape_cast %add3A_1174 : vector<16xf32> to vector<1x16xf32>
        tpu.vector_store %arg13[%swap3A_1175, %swap3A_1176], %swap3A_1179 {strides = array<i32>} : memref<32x768xf32, #tpu.memory_space<vmem>>, vector<1x16xf32>,
        %get3A_1180 = arith.constant 464 : index
        %get3A_1181 = tpu.vector_load %arg14[%get3A_1180] {strides = array<i32>} : memref<768xf32, #tpu.memory_space<vmem>>, vector<16xf32>,
        %get3A_1182 = vector.shape_cast %get3A_1181 : vector<16xf32> to vector<16xf32>
        %get3A_1183 = arith.constant 464 : index
        %get3A_1184 = tpu.vector_load %arg15[%get3A_1183] {strides = array<i32>} : memref<768xf32, #tpu.memory_space<vmem>>, vector<16xf32>,
        %get3A_1185 = vector.shape_cast %get3A_1184 : vector<16xf32> to vector<16xf32>
        %sub3A_1186 = arith.subf %add3A_420, %mul3A_672 : vector<16xf32>
        %mul3A_1187 = arith.mulf %sub3A_1186, %mul3A_744 : vector<16xf32>
        %mul3A_1188 = arith.mulf %mul3A_1187, %get3A_1182 : vector<16xf32>
        %add3A_1189 = arith.addf %mul3A_1188, %get3A_1185 : vector<16xf32>
        %swap3A_1190 = arith.index_cast %scan3A_59 : i32 to index
        %swap3A_1191 = arith.constant 464 : index
        %swap3A_1192 = tpu.vector_load %arg13[%swap3A_1190, %swap3A_1191] {strides = array<i32>} : memref<32x768xf32, #tpu.memory_space<vmem>>, vector<1x16xf32>,
        %swap3A_1193 = vector.shape_cast %swap3A_1192 : vector<1x16xf32> to vector<16xf32>
        %swap3A_1194 = vector.shape_cast %add3A_1189 : vector<16xf32> to vector<1x16xf32>
        tpu.vector_store %arg13[%swap3A_1190, %swap3A_1191], %swap3A_1194 {strides = array<i32>} : memref<32x768xf32, #tpu.memory_space<vmem>>, vector<1x16xf32>,
        %get3A_1195 = arith.constant 480 : index
        %get3A_1196 = tpu.vector_load %arg14[%get3A_1195] {strides = array<i32>} : memref<768xf32, #tpu.memory_space<vmem>>, vector<16xf32>,
        %get3A_1197 = vector.shape_cast %get3A_1196 : vector<16xf32> to vector<16xf32>
        %get3A_1198 = arith.constant 480 : index
        %get3A_1199 = tpu.vector_load %arg15[%get3A_1198] {strides = array<i32>} : memref<768xf32, #tpu.memory_space<vmem>>, vector<16xf32>,
        %get3A_1200 = vector.shape_cast %get3A_1199 : vector<16xf32> to vector<16xf32>
        %sub3A_1201 = arith.subf %add3A_432, %mul3A_672 : vector<16xf32>
        %mul3A_1202 = arith.mulf %sub3A_1201, %mul3A_744 : vector<16xf32>
        %mul3A_1203 = arith.mulf %mul3A_1202, %get3A_1197 : vector<16xf32>
        %add3A_1204 = arith.addf %mul3A_1203, %get3A_1200 : vector<16xf32>
        %swap3A_1205 = arith.index_cast %scan3A_59 : i32 to index
        %swap3A_1206 = arith.constant 480 : index
        %swap3A_1207 = tpu.vector_load %arg13[%swap3A_1205, %swap3A_1206] {strides = array<i32>} : memref<32x768xf32, #tpu.memory_space<vmem>>, vector<1x16xf32>,
        %swap3A_1208 = vector.shape_cast %swap3A_1207 : vector<1x16xf32> to vector<16xf32>
        %swap3A_1209 = vector.shape_cast %add3A_1204 : vector<16xf32> to vector<1x16xf32>
        tpu.vector_store %arg13[%swap3A_1205, %swap3A_1206], %swap3A_1209 {strides = array<i32>} : memref<32x768xf32, #tpu.memory_space<vmem>>, vector<1x16xf32>,
        %get3A_1210 = arith.constant 496 : index
        %get3A_1211 = tpu.vector_load %arg14[%get3A_1210] {strides = array<i32>} : memref<768xf32, #tpu.memory_space<vmem>>, vector<16xf32>,
        %get3A_1212 = vector.shape_cast %get3A_1211 : vector<16xf32> to vector<16xf32>
        %get3A_1213 = arith.constant 496 : index
        %get3A_1214 = tpu.vector_load %arg15[%get3A_1213] {strides = array<i32>} : memref<768xf32, #tpu.memory_space<vmem>>, vector<16xf32>,
        %get3A_1215 = vector.shape_cast %get3A_1214 : vector<16xf32> to vector<16xf32>
        %sub3A_1216 = arith.subf %add3A_444, %mul3A_672 : vector<16xf32>
        %mul3A_1217 = arith.mulf %sub3A_1216, %mul3A_744 : vector<16xf32>
        %mul3A_1218 = arith.mulf %mul3A_1217, %get3A_1212 : vector<16xf32>
        %add3A_1219 = arith.addf %mul3A_1218, %get3A_1215 : vector<16xf32>
        %swap3A_1220 = arith.index_cast %scan3A_59 : i32 to index
        %swap3A_1221 = arith.constant 496 : index
        %swap3A_1222 = tpu.vector_load %arg13[%swap3A_1220, %swap3A_1221] {strides = array<i32>} : memref<32x768xf32, #tpu.memory_space<vmem>>, vector<1x16xf32>,
        %swap3A_1223 = vector.shape_cast %swap3A_1222 : vector<1x16xf32> to vector<16xf32>
        %swap3A_1224 = vector.shape_cast %add3A_1219 : vector<16xf32> to vector<1x16xf32>
        tpu.vector_store %arg13[%swap3A_1220, %swap3A_1221], %swap3A_1224 {strides = array<i32>} : memref<32x768xf32, #tpu.memory_space<vmem>>, vector<1x16xf32>,
        %get3A_1225 = arith.constant 512 : index
        %get3A_1226 = tpu.vector_load %arg14[%get3A_1225] {strides = array<i32>} : memref<768xf32, #tpu.memory_space<vmem>>, vector<16xf32>,
        %get3A_1227 = vector.shape_cast %get3A_1226 : vector<16xf32> to vector<16xf32>
        %get3A_1228 = arith.constant 512 : index
        %get3A_1229 = tpu.vector_load %arg15[%get3A_1228] {strides = array<i32>} : memref<768xf32, #tpu.memory_space<vmem>>, vector<16xf32>,
        %get3A_1230 = vector.shape_cast %get3A_1229 : vector<16xf32> to vector<16xf32>
        %sub3A_1231 = arith.subf %add3A_456, %mul3A_672 : vector<16xf32>
        %mul3A_1232 = arith.mulf %sub3A_1231, %mul3A_744 : vector<16xf32>
        %mul3A_1233 = arith.mulf %mul3A_1232, %get3A_1227 : vector<16xf32>
        %add3A_1234 = arith.addf %mul3A_1233, %get3A_1230 : vector<16xf32>
        %swap3A_1235 = arith.index_cast %scan3A_59 : i32 to index
        %swap3A_1236 = arith.constant 512 : index
        %swap3A_1237 = tpu.vector_load %arg13[%swap3A_1235, %swap3A_1236] {strides = array<i32>} : memref<32x768xf32, #tpu.memory_space<vmem>>, vector<1x16xf32>,
        %swap3A_1238 = vector.shape_cast %swap3A_1237 : vector<1x16xf32> to vector<16xf32>
        %swap3A_1239 = vector.shape_cast %add3A_1234 : vector<16xf32> to vector<1x16xf32>
        tpu.vector_store %arg13[%swap3A_1235, %swap3A_1236], %swap3A_1239 {strides = array<i32>} : memref<32x768xf32, #tpu.memory_space<vmem>>, vector<1x16xf32>,
        %get3A_1240 = arith.constant 528 : index
        %get3A_1241 = tpu.vector_load %arg14[%get3A_1240] {strides = array<i32>} : memref<768xf32, #tpu.memory_space<vmem>>, vector<16xf32>,
        %get3A_1242 = vector.shape_cast %get3A_1241 : vector<16xf32> to vector<16xf32>
        %get3A_1243 = arith.constant 528 : index
        %get3A_1244 = tpu.vector_load %arg15[%get3A_1243] {strides = array<i32>} : memref<768xf32, #tpu.memory_space<vmem>>, vector<16xf32>,
        %get3A_1245 = vector.shape_cast %get3A_1244 : vector<16xf32> to vector<16xf32>
        %sub3A_1246 = arith.subf %add3A_468, %mul3A_672 : vector<16xf32>
        %mul3A_1247 = arith.mulf %sub3A_1246, %mul3A_744 : vector<16xf32>
        %mul3A_1248 = arith.mulf %mul3A_1247, %get3A_1242 : vector<16xf32>
        %add3A_1249 = arith.addf %mul3A_1248, %get3A_1245 : vector<16xf32>
        %swap3A_1250 = arith.index_cast %scan3A_59 : i32 to index
        %swap3A_1251 = arith.constant 528 : index
        %swap3A_1252 = tpu.vector_load %arg13[%swap3A_1250, %swap3A_1251] {strides = array<i32>} : memref<32x768xf32, #tpu.memory_space<vmem>>, vector<1x16xf32>,
        %swap3A_1253 = vector.shape_cast %swap3A_1252 : vector<1x16xf32> to vector<16xf32>
        %swap3A_1254 = vector.shape_cast %add3A_1249 : vector<16xf32> to vector<1x16xf32>
        tpu.vector_store %arg13[%swap3A_1250, %swap3A_1251], %swap3A_1254 {strides = array<i32>} : memref<32x768xf32, #tpu.memory_space<vmem>>, vector<1x16xf32>,
        %get3A_1255 = arith.constant 544 : index
        %get3A_1256 = tpu.vector_load %arg14[%get3A_1255] {strides = array<i32>} : memref<768xf32, #tpu.memory_space<vmem>>, vector<16xf32>,
        %get3A_1257 = vector.shape_cast %get3A_1256 : vector<16xf32> to vector<16xf32>
        %get3A_1258 = arith.constant 544 : index
        %get3A_1259 = tpu.vector_load %arg15[%get3A_1258] {strides = array<i32>} : memref<768xf32, #tpu.memory_space<vmem>>, vector<16xf32>,
        %get3A_1260 = vector.shape_cast %get3A_1259 : vector<16xf32> to vector<16xf32>
        %sub3A_1261 = arith.subf %add3A_480, %mul3A_672 : vector<16xf32>
        %mul3A_1262 = arith.mulf %sub3A_1261, %mul3A_744 : vector<16xf32>
        %mul3A_1263 = arith.mulf %mul3A_1262, %get3A_1257 : vector<16xf32>
        %add3A_1264 = arith.addf %mul3A_1263, %get3A_1260 : vector<16xf32>
        %swap3A_1265 = arith.index_cast %scan3A_59 : i32 to index
        %swap3A_1266 = arith.constant 544 : index
        %swap3A_1267 = tpu.vector_load %arg13[%swap3A_1265, %swap3A_1266] {strides = array<i32>} : memref<32x768xf32, #tpu.memory_space<vmem>>, vector<1x16xf32>,
        %swap3A_1268 = vector.shape_cast %swap3A_1267 : vector<1x16xf32> to vector<16xf32>
        %swap3A_1269 = vector.shape_cast %add3A_1264 : vector<16xf32> to vector<1x16xf32>
        tpu.vector_store %arg13[%swap3A_1265, %swap3A_1266], %swap3A_1269 {strides = array<i32>} : memref<32x768xf32, #tpu.memory_space<vmem>>, vector<1x16xf32>,
        %get3A_1270 = arith.constant 560 : index
        %get3A_1271 = tpu.vector_load %arg14[%get3A_1270] {strides = array<i32>} : memref<768xf32, #tpu.memory_space<vmem>>, vector<16xf32>,
        %get3A_1272 = vector.shape_cast %get3A_1271 : vector<16xf32> to vector<16xf32>
        %get3A_1273 = arith.constant 560 : index
        %get3A_1274 = tpu.vector_load %arg15[%get3A_1273] {strides = array<i32>} : memref<768xf32, #tpu.memory_space<vmem>>, vector<16xf32>,
        %get3A_1275 = vector.shape_cast %get3A_1274 : vector<16xf32> to vector<16xf32>
        %sub3A_1276 = arith.subf %add3A_492, %mul3A_672 : vector<16xf32>
        %mul3A_1277 = arith.mulf %sub3A_1276, %mul3A_744 : vector<16xf32>
        %mul3A_1278 = arith.mulf %mul3A_1277, %get3A_1272 : vector<16xf32>
        %add3A_1279 = arith.addf %mul3A_1278, %get3A_1275 : vector<16xf32>
        %swap3A_1280 = arith.index_cast %scan3A_59 : i32 to index
        %swap3A_1281 = arith.constant 560 : index
        %swap3A_1282 = tpu.vector_load %arg13[%swap3A_1280, %swap3A_1281] {strides = array<i32>} : memref<32x768xf32, #tpu.memory_space<vmem>>, vector<1x16xf32>,
        %swap3A_1283 = vector.shape_cast %swap3A_1282 : vector<1x16xf32> to vector<16xf32>
        %swap3A_1284 = vector.shape_cast %add3A_1279 : vector<16xf32> to vector<1x16xf32>
        tpu.vector_store %arg13[%swap3A_1280, %swap3A_1281], %swap3A_1284 {strides = array<i32>} : memref<32x768xf32, #tpu.memory_space<vmem>>, vector<1x16xf32>,
        %get3A_1285 = arith.constant 576 : index
        %get3A_1286 = tpu.vector_load %arg14[%get3A_1285] {strides = array<i32>} : memref<768xf32, #tpu.memory_space<vmem>>, vector<16xf32>,
        %get3A_1287 = vector.shape_cast %get3A_1286 : vector<16xf32> to vector<16xf32>
        %get3A_1288 = arith.constant 576 : index
        %get3A_1289 = tpu.vector_load %arg15[%get3A_1288] {strides = array<i32>} : memref<768xf32, #tpu.memory_space<vmem>>, vector<16xf32>,
        %get3A_1290 = vector.shape_cast %get3A_1289 : vector<16xf32> to vector<16xf32>
        %sub3A_1291 = arith.subf %add3A_504, %mul3A_672 : vector<16xf32>
        %mul3A_1292 = arith.mulf %sub3A_1291, %mul3A_744 : vector<16xf32>
        %mul3A_1293 = arith.mulf %mul3A_1292, %get3A_1287 : vector<16xf32>
        %add3A_1294 = arith.addf %mul3A_1293, %get3A_1290 : vector<16xf32>
        %swap3A_1295 = arith.index_cast %scan3A_59 : i32 to index
        %swap3A_1296 = arith.constant 576 : index
        %swap3A_1297 = tpu.vector_load %arg13[%swap3A_1295, %swap3A_1296] {strides = array<i32>} : memref<32x768xf32, #tpu.memory_space<vmem>>, vector<1x16xf32>,
        %swap3A_1298 = vector.shape_cast %swap3A_1297 : vector<1x16xf32> to vector<16xf32>
        %swap3A_1299 = vector.shape_cast %add3A_1294 : vector<16xf32> to vector<1x16xf32>
        tpu.vector_store %arg13[%swap3A_1295, %swap3A_1296], %swap3A_1299 {strides = array<i32>} : memref<32x768xf32, #tpu.memory_space<vmem>>, vector<1x16xf32>,
        %get3A_1300 = arith.constant 592 : index
        %get3A_1301 = tpu.vector_load %arg14[%get3A_1300] {strides = array<i32>} : memref<768xf32, #tpu.memory_space<vmem>>, vector<16xf32>,
        %get3A_1302 = vector.shape_cast %get3A_1301 : vector<16xf32> to vector<16xf32>
        %get3A_1303 = arith.constant 592 : index
        %get3A_1304 = tpu.vector_load %arg15[%get3A_1303] {strides = array<i32>} : memref<768xf32, #tpu.memory_space<vmem>>, vector<16xf32>,
        %get3A_1305 = vector.shape_cast %get3A_1304 : vector<16xf32> to vector<16xf32>
        %sub3A_1306 = arith.subf %add3A_516, %mul3A_672 : vector<16xf32>
        %mul3A_1307 = arith.mulf %sub3A_1306, %mul3A_744 : vector<16xf32>
        %mul3A_1308 = arith.mulf %mul3A_1307, %get3A_1302 : vector<16xf32>
        %add3A_1309 = arith.addf %mul3A_1308, %get3A_1305 : vector<16xf32>
        %swap3A_1310 = arith.index_cast %scan3A_59 : i32 to index
        %swap3A_1311 = arith.constant 592 : index
        %swap3A_1312 = tpu.vector_load %arg13[%swap3A_1310, %swap3A_1311] {strides = array<i32>} : memref<32x768xf32, #tpu.memory_space<vmem>>, vector<1x16xf32>,
        %swap3A_1313 = vector.shape_cast %swap3A_1312 : vector<1x16xf32> to vector<16xf32>
        %swap3A_1314 = vector.shape_cast %add3A_1309 : vector<16xf32> to vector<1x16xf32>
        tpu.vector_store %arg13[%swap3A_1310, %swap3A_1311], %swap3A_1314 {strides = array<i32>} : memref<32x768xf32, #tpu.memory_space<vmem>>, vector<1x16xf32>,
        %get3A_1315 = arith.constant 608 : index
        %get3A_1316 = tpu.vector_load %arg14[%get3A_1315] {strides = array<i32>} : memref<768xf32, #tpu.memory_space<vmem>>, vector<16xf32>,
        %get3A_1317 = vector.shape_cast %get3A_1316 : vector<16xf32> to vector<16xf32>
        %get3A_1318 = arith.constant 608 : index
        %get3A_1319 = tpu.vector_load %arg15[%get3A_1318] {strides = array<i32>} : memref<768xf32, #tpu.memory_space<vmem>>, vector<16xf32>,
        %get3A_1320 = vector.shape_cast %get3A_1319 : vector<16xf32> to vector<16xf32>
        %sub3A_1321 = arith.subf %add3A_528, %mul3A_672 : vector<16xf32>
        %mul3A_1322 = arith.mulf %sub3A_1321, %mul3A_744 : vector<16xf32>
        %mul3A_1323 = arith.mulf %mul3A_1322, %get3A_1317 : vector<16xf32>
        %add3A_1324 = arith.addf %mul3A_1323, %get3A_1320 : vector<16xf32>
        %swap3A_1325 = arith.index_cast %scan3A_59 : i32 to index
        %swap3A_1326 = arith.constant 608 : index
        %swap3A_1327 = tpu.vector_load %arg13[%swap3A_1325, %swap3A_1326] {strides = array<i32>} : memref<32x768xf32, #tpu.memory_space<vmem>>, vector<1x16xf32>,
        %swap3A_1328 = vector.shape_cast %swap3A_1327 : vector<1x16xf32> to vector<16xf32>
        %swap3A_1329 = vector.shape_cast %add3A_1324 : vector<16xf32> to vector<1x16xf32>
        tpu.vector_store %arg13[%swap3A_1325, %swap3A_1326], %swap3A_1329 {strides = array<i32>} : memref<32x768xf32, #tpu.memory_space<vmem>>, vector<1x16xf32>,
        %get3A_1330 = arith.constant 624 : index
        %get3A_1331 = tpu.vector_load %arg14[%get3A_1330] {strides = array<i32>} : memref<768xf32, #tpu.memory_space<vmem>>, vector<16xf32>,
        %get3A_1332 = vector.shape_cast %get3A_1331 : vector<16xf32> to vector<16xf32>
        %get3A_1333 = arith.constant 624 : index
        %get3A_1334 = tpu.vector_load %arg15[%get3A_1333] {strides = array<i32>} : memref<768xf32, #tpu.memory_space<vmem>>, vector<16xf32>,
        %get3A_1335 = vector.shape_cast %get3A_1334 : vector<16xf32> to vector<16xf32>
        %sub3A_1336 = arith.subf %add3A_540, %mul3A_672 : vector<16xf32>
        %mul3A_1337 = arith.mulf %sub3A_1336, %mul3A_744 : vector<16xf32>
        %mul3A_1338 = arith.mulf %mul3A_1337, %get3A_1332 : vector<16xf32>
        %add3A_1339 = arith.addf %mul3A_1338, %get3A_1335 : vector<16xf32>
        %swap3A_1340 = arith.index_cast %scan3A_59 : i32 to index
        %swap3A_1341 = arith.constant 624 : index
        %swap3A_1342 = tpu.vector_load %arg13[%swap3A_1340, %swap3A_1341] {strides = array<i32>} : memref<32x768xf32, #tpu.memory_space<vmem>>, vector<1x16xf32>,
        %swap3A_1343 = vector.shape_cast %swap3A_1342 : vector<1x16xf32> to vector<16xf32>
        %swap3A_1344 = vector.shape_cast %add3A_1339 : vector<16xf32> to vector<1x16xf32>
        tpu.vector_store %arg13[%swap3A_1340, %swap3A_1341], %swap3A_1344 {strides = array<i32>} : memref<32x768xf32, #tpu.memory_space<vmem>>, vector<1x16xf32>,
        %get3A_1345 = arith.constant 640 : index
        %get3A_1346 = tpu.vector_load %arg14[%get3A_1345] {strides = array<i32>} : memref<768xf32, #tpu.memory_space<vmem>>, vector<16xf32>,
        %get3A_1347 = vector.shape_cast %get3A_1346 : vector<16xf32> to vector<16xf32>
        %get3A_1348 = arith.constant 640 : index
        %get3A_1349 = tpu.vector_load %arg15[%get3A_1348] {strides = array<i32>} : memref<768xf32, #tpu.memory_space<vmem>>, vector<16xf32>,
        %get3A_1350 = vector.shape_cast %get3A_1349 : vector<16xf32> to vector<16xf32>
        %sub3A_1351 = arith.subf %add3A_552, %mul3A_672 : vector<16xf32>
        %mul3A_1352 = arith.mulf %sub3A_1351, %mul3A_744 : vector<16xf32>
        %mul3A_1353 = arith.mulf %mul3A_1352, %get3A_1347 : vector<16xf32>
        %add3A_1354 = arith.addf %mul3A_1353, %get3A_1350 : vector<16xf32>
        %swap3A_1355 = arith.index_cast %scan3A_59 : i32 to index
        %swap3A_1356 = arith.constant 640 : index
        %swap3A_1357 = tpu.vector_load %arg13[%swap3A_1355, %swap3A_1356] {strides = array<i32>} : memref<32x768xf32, #tpu.memory_space<vmem>>, vector<1x16xf32>,
        %swap3A_1358 = vector.shape_cast %swap3A_1357 : vector<1x16xf32> to vector<16xf32>
        %swap3A_1359 = vector.shape_cast %add3A_1354 : vector<16xf32> to vector<1x16xf32>
        tpu.vector_store %arg13[%swap3A_1355, %swap3A_1356], %swap3A_1359 {strides = array<i32>} : memref<32x768xf32, #tpu.memory_space<vmem>>, vector<1x16xf32>,
        %get3A_1360 = arith.constant 656 : index
        %get3A_1361 = tpu.vector_load %arg14[%get3A_1360] {strides = array<i32>} : memref<768xf32, #tpu.memory_space<vmem>>, vector<16xf32>,
        %get3A_1362 = vector.shape_cast %get3A_1361 : vector<16xf32> to vector<16xf32>
        %get3A_1363 = arith.constant 656 : index
        %get3A_1364 = tpu.vector_load %arg15[%get3A_1363] {strides = array<i32>} : memref<768xf32, #tpu.memory_space<vmem>>, vector<16xf32>,
        %get3A_1365 = vector.shape_cast %get3A_1364 : vector<16xf32> to vector<16xf32>
        %sub3A_1366 = arith.subf %add3A_564, %mul3A_672 : vector<16xf32>
        %mul3A_1367 = arith.mulf %sub3A_1366, %mul3A_744 : vector<16xf32>
        %mul3A_1368 = arith.mulf %mul3A_1367, %get3A_1362 : vector<16xf32>
        %add3A_1369 = arith.addf %mul3A_1368, %get3A_1365 : vector<16xf32>
        %swap3A_1370 = arith.index_cast %scan3A_59 : i32 to index
        %swap3A_1371 = arith.constant 656 : index
        %swap3A_1372 = tpu.vector_load %arg13[%swap3A_1370, %swap3A_1371] {strides = array<i32>} : memref<32x768xf32, #tpu.memory_space<vmem>>, vector<1x16xf32>,
        %swap3A_1373 = vector.shape_cast %swap3A_1372 : vector<1x16xf32> to vector<16xf32>
        %swap3A_1374 = vector.shape_cast %add3A_1369 : vector<16xf32> to vector<1x16xf32>
        tpu.vector_store %arg13[%swap3A_1370, %swap3A_1371], %swap3A_1374 {strides = array<i32>} : memref<32x768xf32, #tpu.memory_space<vmem>>, vector<1x16xf32>,
        %get3A_1375 = arith.constant 672 : index
        %get3A_1376 = tpu.vector_load %arg14[%get3A_1375] {strides = array<i32>} : memref<768xf32, #tpu.memory_space<vmem>>, vector<16xf32>,
        %get3A_1377 = vector.shape_cast %get3A_1376 : vector<16xf32> to vector<16xf32>
        %get3A_1378 = arith.constant 672 : index
        %get3A_1379 = tpu.vector_load %arg15[%get3A_1378] {strides = array<i32>} : memref<768xf32, #tpu.memory_space<vmem>>, vector<16xf32>,
        %get3A_1380 = vector.shape_cast %get3A_1379 : vector<16xf32> to vector<16xf32>
        %sub3A_1381 = arith.subf %add3A_576, %mul3A_672 : vector<16xf32>
        %mul3A_1382 = arith.mulf %sub3A_1381, %mul3A_744 : vector<16xf32>
        %mul3A_1383 = arith.mulf %mul3A_1382, %get3A_1377 : vector<16xf32>
        %add3A_1384 = arith.addf %mul3A_1383, %get3A_1380 : vector<16xf32>
        %swap3A_1385 = arith.index_cast %scan3A_59 : i32 to index
        %swap3A_1386 = arith.constant 672 : index
        %swap3A_1387 = tpu.vector_load %arg13[%swap3A_1385, %swap3A_1386] {strides = array<i32>} : memref<32x768xf32, #tpu.memory_space<vmem>>, vector<1x16xf32>,
        %swap3A_1388 = vector.shape_cast %swap3A_1387 : vector<1x16xf32> to vector<16xf32>
        %swap3A_1389 = vector.shape_cast %add3A_1384 : vector<16xf32> to vector<1x16xf32>
        tpu.vector_store %arg13[%swap3A_1385, %swap3A_1386], %swap3A_1389 {strides = array<i32>} : memref<32x768xf32, #tpu.memory_space<vmem>>, vector<1x16xf32>,
        %get3A_1390 = arith.constant 688 : index
        %get3A_1391 = tpu.vector_load %arg14[%get3A_1390] {strides = array<i32>} : memref<768xf32, #tpu.memory_space<vmem>>, vector<16xf32>,
        %get3A_1392 = vector.shape_cast %get3A_1391 : vector<16xf32> to vector<16xf32>
        %get3A_1393 = arith.constant 688 : index
        %get3A_1394 = tpu.vector_load %arg15[%get3A_1393] {strides = array<i32>} : memref<768xf32, #tpu.memory_space<vmem>>, vector<16xf32>,
        %get3A_1395 = vector.shape_cast %get3A_1394 : vector<16xf32> to vector<16xf32>
        %sub3A_1396 = arith.subf %add3A_588, %mul3A_672 : vector<16xf32>
        %mul3A_1397 = arith.mulf %sub3A_1396, %mul3A_744 : vector<16xf32>
        %mul3A_1398 = arith.mulf %mul3A_1397, %get3A_1392 : vector<16xf32>
        %add3A_1399 = arith.addf %mul3A_1398, %get3A_1395 : vector<16xf32>
        %swap3A_1400 = arith.index_cast %scan3A_59 : i32 to index
        %swap3A_1401 = arith.constant 688 : index
        %swap3A_1402 = tpu.vector_load %arg13[%swap3A_1400, %swap3A_1401] {strides = array<i32>} : memref<32x768xf32, #tpu.memory_space<vmem>>, vector<1x16xf32>,
        %swap3A_1403 = vector.shape_cast %swap3A_1402 : vector<1x16xf32> to vector<16xf32>
        %swap3A_1404 = vector.shape_cast %add3A_1399 : vector<16xf32> to vector<1x16xf32>
        tpu.vector_store %arg13[%swap3A_1400, %swap3A_1401], %swap3A_1404 {strides = array<i32>} : memref<32x768xf32, #tpu.memory_space<vmem>>, vector<1x16xf32>,
        %get3A_1405 = arith.constant 704 : index
        %get3A_1406 = tpu.vector_load %arg14[%get3A_1405] {strides = array<i32>} : memref<768xf32, #tpu.memory_space<vmem>>, vector<16xf32>,
        %get3A_1407 = vector.shape_cast %get3A_1406 : vector<16xf32> to vector<16xf32>
        %get3A_1408 = arith.constant 704 : index
        %get3A_1409 = tpu.vector_load %arg15[%get3A_1408] {strides = array<i32>} : memref<768xf32, #tpu.memory_space<vmem>>, vector<16xf32>,
        %get3A_1410 = vector.shape_cast %get3A_1409 : vector<16xf32> to vector<16xf32>
        %sub3A_1411 = arith.subf %add3A_600, %mul3A_672 : vector<16xf32>
        %mul3A_1412 = arith.mulf %sub3A_1411, %mul3A_744 : vector<16xf32>
        %mul3A_1413 = arith.mulf %mul3A_1412, %get3A_1407 : vector<16xf32>
        %add3A_1414 = arith.addf %mul3A_1413, %get3A_1410 : vector<16xf32>
        %swap3A_1415 = arith.index_cast %scan3A_59 : i32 to index
        %swap3A_1416 = arith.constant 704 : index
        %swap3A_1417 = tpu.vector_load %arg13[%swap3A_1415, %swap3A_1416] {strides = array<i32>} : memref<32x768xf32, #tpu.memory_space<vmem>>, vector<1x16xf32>,
        %swap3A_1418 = vector.shape_cast %swap3A_1417 : vector<1x16xf32> to vector<16xf32>
        %swap3A_1419 = vector.shape_cast %add3A_1414 : vector<16xf32> to vector<1x16xf32>
        tpu.vector_store %arg13[%swap3A_1415, %swap3A_1416], %swap3A_1419 {strides = array<i32>} : memref<32x768xf32, #tpu.memory_space<vmem>>, vector<1x16xf32>,
        %get3A_1420 = arith.constant 720 : index
        %get3A_1421 = tpu.vector_load %arg14[%get3A_1420] {strides = array<i32>} : memref<768xf32, #tpu.memory_space<vmem>>, vector<16xf32>,
        %get3A_1422 = vector.shape_cast %get3A_1421 : vector<16xf32> to vector<16xf32>
        %get3A_1423 = arith.constant 720 : index
        %get3A_1424 = tpu.vector_load %arg15[%get3A_1423] {strides = array<i32>} : memref<768xf32, #tpu.memory_space<vmem>>, vector<16xf32>,
        %get3A_1425 = vector.shape_cast %get3A_1424 : vector<16xf32> to vector<16xf32>
        %sub3A_1426 = arith.subf %add3A_612, %mul3A_672 : vector<16xf32>
        %mul3A_1427 = arith.mulf %sub3A_1426, %mul3A_744 : vector<16xf32>
        %mul3A_1428 = arith.mulf %mul3A_1427, %get3A_1422 : vector<16xf32>
        %add3A_1429 = arith.addf %mul3A_1428, %get3A_1425 : vector<16xf32>
        %swap3A_1430 = arith.index_cast %scan3A_59 : i32 to index
        %swap3A_1431 = arith.constant 720 : index
        %swap3A_1432 = tpu.vector_load %arg13[%swap3A_1430, %swap3A_1431] {strides = array<i32>} : memref<32x768xf32, #tpu.memory_space<vmem>>, vector<1x16xf32>,
        %swap3A_1433 = vector.shape_cast %swap3A_1432 : vector<1x16xf32> to vector<16xf32>
        %swap3A_1434 = vector.shape_cast %add3A_1429 : vector<16xf32> to vector<1x16xf32>
        tpu.vector_store %arg13[%swap3A_1430, %swap3A_1431], %swap3A_1434 {strides = array<i32>} : memref<32x768xf32, #tpu.memory_space<vmem>>, vector<1x16xf32>,
        %get3A_1435 = arith.constant 736 : index
        %get3A_1436 = tpu.vector_load %arg14[%get3A_1435] {strides = array<i32>} : memref<768xf32, #tpu.memory_space<vmem>>, vector<16xf32>,
        %get3A_1437 = vector.shape_cast %get3A_1436 : vector<16xf32> to vector<16xf32>
        %get3A_1438 = arith.constant 736 : index
        %get3A_1439 = tpu.vector_load %arg15[%get3A_1438] {strides = array<i32>} : memref<768xf32, #tpu.memory_space<vmem>>, vector<16xf32>,
        %get3A_1440 = vector.shape_cast %get3A_1439 : vector<16xf32> to vector<16xf32>
        %sub3A_1441 = arith.subf %add3A_624, %mul3A_672 : vector<16xf32>
        %mul3A_1442 = arith.mulf %sub3A_1441, %mul3A_744 : vector<16xf32>
        %mul3A_1443 = arith.mulf %mul3A_1442, %get3A_1437 : vector<16xf32>
        %add3A_1444 = arith.addf %mul3A_1443, %get3A_1440 : vector<16xf32>
        %swap3A_1445 = arith.index_cast %scan3A_59 : i32 to index
        %swap3A_1446 = arith.constant 736 : index
        %swap3A_1447 = tpu.vector_load %arg13[%swap3A_1445, %swap3A_1446] {strides = array<i32>} : memref<32x768xf32, #tpu.memory_space<vmem>>, vector<1x16xf32>,
        %swap3A_1448 = vector.shape_cast %swap3A_1447 : vector<1x16xf32> to vector<16xf32>
        %swap3A_1449 = vector.shape_cast %add3A_1444 : vector<16xf32> to vector<1x16xf32>
        tpu.vector_store %arg13[%swap3A_1445, %swap3A_1446], %swap3A_1449 {strides = array<i32>} : memref<32x768xf32, #tpu.memory_space<vmem>>, vector<1x16xf32>,
        %get3A_1450 = arith.constant 752 : index
        %get3A_1451 = tpu.vector_load %arg14[%get3A_1450] {strides = array<i32>} : memref<768xf32, #tpu.memory_space<vmem>>, vector<16xf32>,
        %get3A_1452 = vector.shape_cast %get3A_1451 : vector<16xf32> to vector<16xf32>
        %get3A_1453 = arith.constant 752 : index
        %get3A_1454 = tpu.vector_load %arg15[%get3A_1453] {strides = array<i32>} : memref<768xf32, #tpu.memory_space<vmem>>, vector<16xf32>,
        %get3A_1455 = vector.shape_cast %get3A_1454 : vector<16xf32> to vector<16xf32>
        %sub3A_1456 = arith.subf %add3A_636, %mul3A_672 : vector<16xf32>
        %mul3A_1457 = arith.mulf %sub3A_1456, %mul3A_744 : vector<16xf32>
        %mul3A_1458 = arith.mulf %mul3A_1457, %get3A_1452 : vector<16xf32>
        %add3A_1459 = arith.addf %mul3A_1458, %get3A_1455 : vector<16xf32>
        %swap3A_1460 = arith.index_cast %scan3A_59 : i32 to index
        %swap3A_1461 = arith.constant 752 : index
        %swap3A_1462 = tpu.vector_load %arg13[%swap3A_1460, %swap3A_1461] {strides = array<i32>} : memref<32x768xf32, #tpu.memory_space<vmem>>, vector<1x16xf32>,
        %swap3A_1463 = vector.shape_cast %swap3A_1462 : vector<1x16xf32> to vector<16xf32>
        %swap3A_1464 = vector.shape_cast %add3A_1459 : vector<16xf32> to vector<1x16xf32>
        tpu.vector_store %arg13[%swap3A_1460, %swap3A_1461], %swap3A_1464 {strides = array<i32>} : memref<32x768xf32, #tpu.memory_space<vmem>>, vector<1x16xf32>,
        %scan3A_1465 = arith.constant 2 : i32
        scf.yield %scan3A_1465 : i32
      }
      %scan3A_58 = arith.constant 32 : i32
      "tpu.region"() ({
        %run_scoped3A = tpu.sem_alloc : memref<!tpu.dma_semaphore, #tpu.memory_space<semaphore_mem>>
        %dma_start3A_59 = arith.constant 0 : i32
        %dma_start3A_60 = tpu.memref_slice %arg8[%add3A_11, %dma_start3A_59] : memref<32768x768xf32, #tpu.memory_space<hbm>> -> memref<32x768xf32, #tpu.memory_space<hbm>>
        %dma_start3A_61 = arith.constant 0 : i32
        %dma_start3A_62 = tpu.memref_slice %arg8[%add3A_11, %dma_start3A_61] : memref<32768x768xf32, #tpu.memory_space<hbm>> -> memref<32x768xf32, #tpu.memory_space<hbm>>
        tpu.enqueue_dma source(%arg13 : memref<32x768xf32, #tpu.memory_space<vmem>>) target(%dma_start3A_62 : memref<32x768xf32, #tpu.memory_space<hbm>>) target_semaphore(%run_scoped3A : memref<!tpu.dma_semaphore, #tpu.memory_space<semaphore_mem>>)
        %dma_wait3A_63 = arith.constant 0 : i32
        %dma_wait3A_64 = tpu.memref_slice %arg8[%add3A_11, %dma_wait3A_63] : memref<32768x768xf32, #tpu.memory_space<hbm>> -> memref<32x768xf32, #tpu.memory_space<hbm>>
        %dma_wait3A_65 = arith.constant 0 : i32
        %dma_wait3A_66 = tpu.memref_slice %arg8[%add3A_11, %dma_wait3A_65] : memref<32768x768xf32, #tpu.memory_space<hbm>> -> memref<32x768xf32, #tpu.memory_space<hbm>>
        tpu.wait_dma2 semaphore(%run_scoped3A : memref<!tpu.dma_semaphore, #tpu.memory_space<semaphore_mem>>) src(%arg13 : memref<32x768xf32, #tpu.memory_space<vmem>>) dst(%dma_wait3A_66 : memref<32x768xf32, #tpu.memory_space<hbm>>)
        tpu.yield
      }) : () -> ()
    }
    %scan3A_7 = arith.constant 32 : i32
    return
  }
}

</mosaic_0001>

<sc_bundles>
// kernel: kernel.3.cloned.1.call-start
scs
__scs_entry_jumppad:
0x0: {  	(pc) =	sbr.rel $0x88, $3  }
0x1: {  	(tag) =	ssettag $0x0;
	lr =	simm.s32 $0x1  }
0x2: {  	[smem:$0x3F9A] =	sst lr;
	_ =	strace $0xD0000000  }
0x3: {  	_ = 	snop  }
0x4: {  	_ = 	snop  }
0x5: {  	_ = 	snop  }
0x6: {  	_ = 	snop  }
0x7: {  	_ = 	snop  }
__scs_overlays_trampoline_lowered:
0x8: {  	[smem:$0x3FA9] =	sst s0  }
0x9: {  	[smem:$0x3FAA] =	sst s1  }
0xa: {  	[smem:$0x3FAB] =	sst s2  }
0xb: {  	[smem:$0x3FAC] =	sst s3  }
0xc: {  	[smem:$0x3FAD] =	sst s4  }
0xd: {  	[smem:$0x3FAE] =	sst s5  }
0xe: {  	[smem:$0x3FAF] =	sst s6  }
0xf: {  	[smem:$0x3FB0] =	sst s7  }
0x10: {  	[smem:$0x3FB1] =	sst s8  }
0x11: {  	[smem:$0x3FB2] =	sst s9;
	s0 =	simm.s32 @!p0 $0x0  }
0x12: {  	s1 =	sld [smem:$0x3F98];
	s0 =	simm.s32 @p0 $0x1  }
0x13: {  	[smem:$0x3FB3] =	sst s0;
	s0 =	simm.s32 @!p1 $0x0  }
0x14: {  	s2 =	sld [smem:$0x3F97];
	s0 =	simm.s32 @p1 $0x1  }
0x15: {  	[smem:$0x3FB4] =	sst s0;
	s0 =	simm.s32 @!p2 $0x0  }
0x16: {  	s3 =	sld [smem:$0x3FDB];
	s0 =	simm.s32 @p2 $0x1  }
0x17: {  	s4 =	simm.s32 $0x1BF5;
	[smem:$0x3FB6] =	sst s0  }
0x18: {  	s0 =	sld [smem:$0x3F99];
	_ =	swait.ge [sflag:s4], $0x0  }
0x19: {  	s7 =	sld [smem:$0x3F9A]  }
0x1a: {  	s8 =	sadd.s32 $0xFFFFE003, lr  }
0x1b: {  	s9 =	sadd.s32 $0xFFFFFEF7, lr;
	s5 =	simm.s32 $0xFFFFFFFF;
	p2 =	slt.u32 s8, $0xFFFFF086  }
0x1c: {  	p1 =	slt.u32 s9, $0xF7A;
	s5 =	simm.s32 @!p2 $0x0  }
0x1d: {  	s5 =	simm.s32 @p1 $0x1;
	p0 =	seq.s32 s7, s2  }
0x1e: {  	s7 =	smul.u32 @!p0 $0xF7A, s2;
	p2 =	seq.s32 @!p0 s5, $0x0  }
0x1f: {  	s9 =	smul.u32 $0xF7A, s1;
	s8 =	simm.s32 @!p0 $0x1BF5;
	p2 =	por !p2, p0  }
0x20: {  	[sflag:s8] =	ssyncset.s32 @!p0 $0xFFFFF086;
	s6 =	sadd.s32 @!p0 s3, s7;
	s7 =	simm.s32 @!p0 $0x108  }
0x21: {  	s3 =	sadd.s32 s3, s9;
	s6 =	sadd.s32 @!p0 $0x88, s6;
	s7 =	simm.s32 @p2 $0x1082  }
0x22: {  	[simem:s7], [sflag:s8] =	dma.local @!p0 [hbm:s6], $0xF7A  }
0x23: {  	s9 =	sor.u32 $0xD0000000, s2;
	s6 =	simm.s32 $0x108;
	_ =	swait.ge @!p0 [sflag:s8], $0x0  }
0x24: {  	s3 =	sadd.s32 $0x88, s3;
	s6 =	simm.s32 @!p1 $0x1082;
	[sflag:s4] =	ssyncset.s32 $0xFFFFF086  }
0x25: {  	[simem:s6], [sflag:s4] =	dma.local [hbm:s3], $0xF7A  }
0x26: {  	[smem:$0x3F9A] =	sst s1;
	(tag) =	ssettag s2;
	_ =	strace s9  }
0x27: {  	s1 =	sld [smem:$0x3FAA]  }
0x28: {  	s2 =	sld [smem:$0x3FAB]  }
0x29: {  	s4 =	sld [smem:$0x3FAD]  }
0x2a: {  	p0 =	seq.s32 s5, $0x0;
	s5 =	sld [smem:$0x3FAE]  }
0x2b: {  	s6 =	sld [smem:$0x3FAF]  }
0x2c: {  	s7 =	sld [smem:$0x3FB0]  }
0x2d: {  	s3 =	simm.s32 $0x108;
	s8 =	sld [smem:$0x3FB1]  }
0x2e: {  	s3 =	simm.s32 @!p0 $0x1082;
	s9 =	sld [smem:$0x3FB2]  }
0x2f: {  	lr =	sadd.s32 s0, s3;
	s0 =	sld [smem:$0x3FA9]  }
0x30: {  	s3 =	sld [smem:$0x3FAC]  }
0x31: {  	[smem:$0x3FB5] =	sst s10  }
0x32: {  	s10 =	sld [smem:$0x3FB3];
	_ =	sdelay $0x3  }
0x33: {  	p0 =	seq.s32 s10, $0x1;
	s10 =	sld [smem:$0x3FB5];
	_ =	sdelay $0x3  }
0x34: {  	[smem:$0x3FB5] =	sst s10  }
0x35: {  	s10 =	sld [smem:$0x3FB4];
	_ =	sdelay $0x3  }
0x36: {  	p1 =	seq.s32 s10, $0x1;
	s10 =	sld [smem:$0x3FB5];
	_ =	sdelay $0x3  }
0x37: {  	[smem:$0x3FB5] =	sst s10  }
0x38: {  	s10 =	sld [smem:$0x3FB6]  }
0x39: {  	_ = 	snop;
	(pc) =	sbr.ind lr, $3  }
0x3a: {  	_ = 	snop  }
0x3b: {  	_ = 	snop  }
0x3c: {  	p2 =	seq.s32 s10, $0x1;
	s10 =	sld [smem:$0x3FB5]  }
0x3d: {  	_ =	shalt  }
0x3e: {  	_ =	shalt  }
0x3f: {  	_ =	shalt  }
0x40: {  	_ =	shalt  }
0x41: {  	_ =	shalt  }
0x42: {  	_ =	shalt  }
0x43: {  	_ =	shalt  }
0x44: {  	_ =	shalt  }
0x45: {  	_ =	shalt  }
0x46: {  	_ =	shalt  }
0x47: {  	_ =	shalt  }
0x48: {  	_ =	shalt  }
0x49: {  	_ =	shalt  }
0x4a: {  	_ =	shalt  }
0x4b: {  	_ =	shalt  }
0x4c: {  	_ =	shalt  }
0x4d: {  	_ =	shalt  }
0x4e: {  	_ =	shalt  }
0x4f: {  	_ =	shalt  }
0x50: {  	_ =	shalt  }
0x51: {  	_ =	shalt  }
0x52: {  	_ =	shalt  }
0x53: {  	_ =	shalt  }
0x54: {  	_ =	shalt  }
0x55: {  	_ =	shalt  }
0x56: {  	_ =	shalt  }
0x57: {  	_ =	shalt  }
0x58: {  	_ =	shalt  }
0x59: {  	_ =	shalt  }
0x5a: {  	_ =	shalt  }
0x5b: {  	_ =	shalt  }
0x5c: {  	_ =	shalt  }
0x5d: {  	_ =	shalt  }
0x5e: {  	_ =	shalt  }
0x5f: {  	_ =	shalt  }
0x60: {  	_ =	shalt  }
0x61: {  	_ =	shalt  }
0x62: {  	_ =	shalt  }
0x63: {  	_ =	shalt  }
0x64: {  	_ =	shalt  }
0x65: {  	_ =	shalt  }
0x66: {  	_ =	shalt  }
0x67: {  	_ =	shalt  }
0x68: {  	_ =	shalt  }
0x69: {  	_ =	shalt  }
0x6a: {  	_ =	shalt  }
0x6b: {  	_ =	shalt  }
0x6c: {  	_ =	shalt  }
0x6d: {  	_ =	shalt  }
0x6e: {  	_ =	shalt  }
0x6f: {  	_ =	shalt  }
0x70: {  	_ =	shalt  }
0x71: {  	_ =	shalt  }
0x72: {  	_ =	shalt  }
0x73: {  	_ =	shalt  }
0x74: {  	_ =	shalt  }
0x75: {  	_ =	shalt  }
0x76: {  	_ =	shalt  }
0x77: {  	_ =	shalt  }
0x78: {  	_ =	shalt  }
0x79: {  	_ =	shalt  }
0x7a: {  	_ =	shalt  }
0x7b: {  	_ =	shalt  }
0x7c: {  	_ =	shalt  }
0x7d: {  	_ =	shalt  }
0x7e: {  	_ =	shalt  }
0x7f: {  	_ =	shalt  }
0x80: {  	_ =	shalt  }
0x81: {  	_ =	shalt  }
0x82: {  	_ =	shalt  }
0x83: {  	_ =	shalt  }
0x84: {  	_ =	shalt  }
0x85: {  	_ =	shalt  }
0x86: {  	_ =	shalt  }
0x87: {  	_ =	shalt  }
.Lfunc_end0:
.L_simem_size_0:
called_computation_lowered:
.L_overlay_start_0:
0x88: {  	s2 =	sld [smem:$0x3FD9]  }
0x89: {  	s3 =	sld [smem:$0x3FFE];
	_ =	sdelay $0x1  }
0x8a: {  	s1 =	srdreg.scid  }
0x8b: {  	s0 =	sand.u32 $0x1, s1  }
0x8c: {  	s17 =	sshll.u32 s0, $0xA;
	s2 =	sadd.s32 s3, s2  }
0x8d: {  	s2 =	sadd.s32 s2, s17  }
0x8e: {  	[smem:$0x3FC1] =	sst s2  }
0x8f: {  	_ = 	snop  }
0x90: {  	s2 =	sld [smem:$0x3FC7]  }
0x91: {  	s18 =	sld [smem:$0x3FC4]  }
0x92: {  	s4 =	sld [smem:$0x3FC3]  }
0x93: {  	s5 =	sld [smem:$0x3FD0];
	(tm) =	ssettm $0x1  }
0x94: {  	s6 =	sld [smem:$0x3FFB];
	_ =	sdelay $0x3  }
0x95: {  	_ =	strace s6  }
0x96: {  	s6 =	sld [smem:$0x3FFC];
	_ =	sdelay $0x3  }
0x97: {  	_ =	strace s6  }
0x98: {  	s6 =	sld [smem:$0x3FFD];
	_ =	sdelay $0x3  }
0x99: {  	_ =	strace s6  }
0x9a: {  	_ =	strace $0x8FFFFFFF  }
0x9b: {  	s19 =	sld [smem:$0x3FDB];
	_ =	sdelay $0x1  }
0x9c: {  	s7 =	simm.s32 $_scs_section_size  }
0x9d: {  	s8 =	simm.s32 $_size__tile_overlayer_lowered;
	s9 =	simm.s32 $_tile_overlayer_lowered  }
0x9e: {  	s22 =	simm.s32 $0x1BFF;
	s21 =	sshll.u32 s9, $0x1;
	s6 =	sadd.s32 s7, s19  }
0x9f: {  	s10 =	simm.s32 $0x0;
	s20 =	sshll.u32 s8, $0x1;
	s8 =	sadd.s32 s21, s6  }
0xa0: {  	[timem:s10], [sflag:s22] =	dma.local [hbm:s8], s20  }
0xa1: {  	_ =	swait.ge [sflag:s22], s20  }
0xa2: {  	s7 =	ssub.s32 $0x0, s20;
	[sflag:s22] =	ssyncset.done $0x0  }
0xa3: {  	[sflag:s22] =	ssyncadd.s32 s7;
	_ =	sdelay $0x1  }
0xa4: {  	s23 =	simm.s32 $0x1B8B  }
0xa5: {  	_ =	swait.ge [sflag:s23], $0x1  }
0xa6: {  	[sflag:s23] =	ssyncset.done $0x0  }
0xa7: {  	s25 =	simm.s32 $0x1B8E;
	s24 =	sld [smem:$0x3FFE];
	[sflag:s23] =	ssyncadd.s32 $0xFFFFFFFF  }
0xa8: {  	s26 =	simm.s32 $execute0_lowered;
	[smem:$0x3FD2] =	sst s25  }
0xa9: {  	s8 =	sshll.u32 s26, $0x1;
	_ =	strace $0x80000046;
	[dreg:$0x1] =	wrdreg $0xFFFFFFFF  }
0xaa: {  	s28 =	simm.s32 $_size_execute0_lowered;
	s6 =	sadd.s32 s6, s8;
	[dreg:$0x0] =	wrdreg $0x0  }
0xab: {  	s8 =	sshll.u32 s28, $0x1;
	[dreg:$0x2] =	wrdreg s6  }
0xac: {  	[dreg:$0x3] =	wrdreg s8  }
0xad: {  	[dreg:$0x4] =	wrdreg $0xC0  }
0xae: {  	_ =	task [dreg:s10], $0x5FFFF  }
0xaf: {  	[dreg:$0x1] =	wrdreg $0xFFFFFFFF  }
0xb0: {  	[dreg:$0x0] =	wrdreg $0x60  }
0xb1: {  	[dreg:$0x2] =	wrdreg s24  }
0xb2: {  	[dreg:$0x3] =	wrdreg s2  }
0xb3: {  	[dreg:$0x4] =	wrdreg s18  }
0xb4: {  	[dreg:$0x5] =	wrdreg s4  }
0xb5: {  	[dreg:$0x6] =	wrdreg s5  }
0xb6: {  	[dreg:$0x7] =	wrdreg $0x9  }
0xb7: {  	_ =	task.clear_ibuf [dreg:s10], $0x8FFFF;
	_ =	strace $0x90000046  }
0xb8: {  	s29 =	simm.s32 $0x9;
	_ =	strace $0x80000048  }
0xb9: {  	_ =	swait.ge [sflag:s29], $0x1  }
0xba: {  	[sflag:s29] =	ssyncadd.s32 $0xFFFFFFFF  }
0xbb: {  	_ =	strace $0x90000048  }
0xbc: {  	_ =	sfence  }
0xbd: {  	s30 =	sld [smem:$0x0];
	_ =	sdelay $0x2  }
0xbe: {  	s31 =	sshll.u32 s1, $0xD;
	s1 =	sshrl.u32 s1, $0x2  }
0xbf: {  	s3 =	sand.u32 $0x4000, s31;
	s1 =	sadd.s32 s1, s30  }
0xc0: {  	s0 =	sor.u32 s3, s0;
	s1 =	sshll.u32 s1, $0x11  }
0xc1: {  	s0 =	sor.u32 s1, s0  }
0xc2: {  	s0 =	sadd.s32 $0x8F2B, s0  }
0xc3: {  	[sflag:s0] =	ssyncadd.remote.s32 $0x1  }
0xc4: {  	_ =	sfence.sel $0xFFFF  }
0xc5: {  	[dreg:$0x0] =	wrdreg $0xFFFFFFFF;
	(pc) =	sbr.abs _section_cstart, $3  }
0xc6: {  	[dreg:$0x1] =	wrdreg $0xFFFFFFFF  }
0xc7: {  	_ =	task.clear_ibuf [dreg:s10], $0x2FFFF;
	_ =	strace $0x9FFFFFFF  }
0xc8: {  	(tm) =	ssettm $0x7FFFFFFF  }
0xc9: {  	_ =	shalt  }
tec
execute0_lowered:
.L_overlay_start_1:
0x0: {  	(tag) =	ssettag $0x1  }
0x1: {  	s5 =	rddreg [dreg:$0x0];
	v0 =	vimm.s32 $0xEFCDAB89;
	v1 =	vimm.s32 $0x67452301  }
0x2: {  	s2 =	rddreg [dreg:$0x1];
	s0 =	simm.s32 $0x0;
	s29 =	srdreg.scid;
	v4 =	vimm.s32 $0x54761032;
	v0 =	vunpack.c.l.s4.s8 v0;
	v1 =	vunpack.c.l.s4.s8 v1  }
0x3: {  	s4 =	stileid.u32;
	s17 =	simm.s32 $0x3;
	s7 =	simm.s32 $0x6180;
	v4 =	vunpack.c.l.s4.s8 v4  }
0x4: {  	s16 =	simm.s32 $0x7980;
	s18 =	simm.s32 $0x8180;
	s15 =	simm.s32 $0x8980;
	v2 =	vunpack.c.0.s8.s32 v0;
	v0 =	vimm.s32 $0xDCFE98BA;
	v1 =	vunpack.c.0.s8.s32 v1  }
0x5: {  	v7 =	vimm.s32 $0xFEDCBA98;
	s19 =	simm.s32 $0xA180;
	s20 =	simm.s32 $0xA980;
	s21 =	simm.s32 $0xB180;
	v3 =	vunpack.c.l.s4.s8 v0  }
0x6: {  	s22 =	simm.s32 $0xB980;
	s23 =	simm.s32 $0x1;
	s24 =	simm.s32 $0x2;
	v7 =	vunpack.c.l.s4.s8 v7;
	v6 =	vcombine.low v1, v2;
	v2 =	vunpack.c.0.s8.s32 v4  }
0x7: {  	s25 =	simm.s32 $0x0;
	s31 =	simm.s32 $0x0;
	[smem:$0x7FF] =	sst s0;
	v4 =	vimm.s32 $0x32107654;
	v1 =	vunpack.c.0.s8.s32 v3;
	v3 =	vimm.s32 $0xBA98FEDC  }
0x8: {  	s0 =	sand.u32 $0x1, s29;
	s8 =	sadd.s32 $0x2000, s5;
	s4 =	sshll.u32 s4, $0xB;
	v0 =	vlaneseq.u32;
	v4 =	vunpack.c.l.s4.s8 v4;
	v3 =	vunpack.c.l.s4.s8 v3  }
0x9: {  	s9 =	sadd.s32 $0x1000, s5;
	s11 =	sadd.s32 $0x100, s2;
	s12 =	sadd.s32 $0x200, s2;
	v5 =	vshrl.u32 v0, $0x3;
	v8 =	vcombine.low v2, v1;
	v1 =	vimm.s32 $0x76543210  }
0xa: {  	s13 =	sadd.s32 $0x2100, s5;
	s14 =	sadd.s32 $0x2200, s5;
	s1 =	ssub.s32 $0x2, s0;
	v4 =	vunpack.c.0.s8.s32 v4;
	v3 =	vunpack.c.0.s8.s32 v3;
	v9 =	vunpack.c.l.s4.s8 v1  }
0xb: {  	vm0 =	vmmov $0xffff;
	s5 =	simm.s32 $0x9980;
	s0 =	sshll.u32 s0, $0xA;
	s3 =	sshrl.u32 s1, $0x1;
	v2 =	vmul.u32 $0x8, v5;
	v5 =	vunpack.c.0.s8.s32 v7  }
0xc: {  	_ =	strace $0x80000047;
	s10 =	sor.u32 s0, s4;
	s1 =	ssub.s32 s1, s3;
	v1 =	vand.u32 $0x7, v0;
	v7 =	vcombine.low v4, v3;
	v9 =	vunpack.c.0.s8.s32 v9  }
0xd: {  	s0 =	simm.s32 $0x5980;
	s4 =	simm.s32 $0x7180;
	s30 =	smax.u32 s1, $0x1;
	v10 =	vand.u32 $0xF, v5;
	v5 =	vand.u32 $0xF, v8;
	v3 =	vor.u32 $0x8, v0  }
0xe: {  	s3 =	simm.s32 $0x6980;
	s1 =	simm.s32 $0x9180;
	[dreg:$0x6] =	wrdreg s30;
	v4 =	vand.u32 $0xF, v6;
	v6 =	vand.u32 $0xF, v7;
	v7 =	vcombine.low v10, v9  }
.LBB2_1:
0xf: {  	[dreg:$0x7] =	wrdreg s25  }
0x10: {  	s6 =	rddreg [dreg:$0x2];
	s28 =	simm.s32 $0x0;
	s26 =	simm.s32 $0xC180  }
0x11: {  	[tilespmem:s26], [sflag:$0x3] =	stream.linear.gather [hbm4b:s6+s28], $0x300, $0x38;
	[tilespmem:$0xC780] =	vst v63  }
0x12: {  	_ =	swait.ge [sflag:s17], $0x300  }
0x13: {  	[sflag:s17] =	ssyncset.done $0x0  }
0x14: {  	[sflag:s17] =	ssyncadd.s32 $0xFFFFFD00  }
0x15: {  	s30 =	simm.s32 $0xC480;
	s29 =	rddreg [dreg:$0x3]  }
0x16: {  	[tilespmem:s30], [sflag:$0x3] =	stream.linear.gather [hbm4b:s29+s28], $0x300, $0x38;
	[tilespmem:$0xC780] =	vst v63  }
0x17: {  	_ =	swait.ge [sflag:s17], $0x300  }
0x18: {  	[sflag:s17] =	ssyncset.done $0x0  }
0x19: {  	s25 =	simm.s32 $0x0;
	[sflag:s17] =	ssyncadd.s32 $0xFFFFFD00  }
.LBB2_2:
0x1a: {  	s6 =	sshll.u32 s25, $0x5  }
0x1b: {  	s26 =	sadd.s32 s10, s6  }
0x1c: {  	s28 =	rddreg [dreg:$0x0];
	s26 =	sshrl.u32 s26, $0x3  }
0x1d: {  	s29 =	sadd.s32 s28, s26;
	s28 =	simm.s32 $0x0  }
0x1e: {  	[tilespmem:s28], [sflag:$0x3] =	stream.linear.gather [hbm4b:s29+s28], $0x20, $0x38;
	[tilespmem:$0xC780] =	vst v63  }
0x1f: {  	_ =	swait.ge [sflag:s17], $0x20  }
0x20: {  	[sflag:s17] =	ssyncset.done $0x0  }
0x21: {  	s30 =	simm.s32 $0x80;
	s29 =	sadd.s32 s9, s26;
	[sflag:s17] =	ssyncadd.s32 $0xFFFFFFE0  }
0x22: {  	[tilespmem:s30], [sflag:$0x3] =	stream.linear.gather [hbm4b:s29+s28], $0x20, $0x38;
	[tilespmem:$0xC780] =	vst v63  }
0x23: {  	_ =	swait.ge [sflag:s17], $0x20  }
0x24: {  	[sflag:s17] =	ssyncset.done $0x0  }
0x25: {  	[sflag:s17] =	ssyncadd.s32 $0xFFFFFFE0  }
0x26: {  	v8 =	vld [tilespmem:$0x0];
	_ =	sdelay $0x4  }
0x27: {  	v9 =	vshrl.u32 v8, $0x3  }
0x28: {  	v10 =	vld [tilespmem:$0x80];
	v9 =	vmul.u32 $0x30, v9  }
0x29: {  	v11 =	vld [tilespmem:$0x90];
	v8 =	vand.u32 $0x7, v8  }
0x2a: {  	v8 =	vor.u32 v8, v9  }
0x2b: {  	v9 =	vperm.xlane v8, v1;
	_ =	sdelay $0x1  }
0x2c: {  	s6 =	sand.u32 $0x1E0, s6;
	v10 =	vshll.u32 v10, $0x9;
	v9 =	vadd.s32 v2, v9  }
0x2d: {  	v11 =	vshll.u32 v11, $0x9;
	v10 =	vor.u32 s6, v10;
	s6 =	sor.u32 $0x10, s6  }
0x2e: {  	v10 =	vor.u32 v0, v10;
	v11 =	vor.u32 s6, v11  }
0x2f: {  	[tilespmem:$0x100] =	vst v10;
	v60 =	vor.u32 v0, v11  }
0x30: {  	s30 =	simm.s32 $0x180;
	[tilespmem:$0x110] =	vst v60;
	v8 =	vperm.xlane v8, v3  }
0x31: {  	[tilespmem:s30], [sflag:$0x1] =	stream.indirect_vreg.gather [hbm4b:s2+s28], $0x80, v9, vm0, $0xb8;
	[tilespmem:$0xC780] =	vst v63  }
0x32: {  	v8 =	vadd.s32 v2, v8;
	s30 =	simm.s32 $0x980  }
0x33: {  	[tilespmem:s30], [sflag:$0x1] =	stream.indirect_vreg.gather [hbm4b:s11+s28], $0x80, v9, vm0, $0xb8;
	[tilespmem:$0xC780] =	vst v63  }
0x34: {  	s30 =	simm.s32 $0x1180  }
0x35: {  	[tilespmem:s30], [sflag:$0x1] =	stream.indirect_vreg.gather [hbm4b:s12+s28], $0x80, v9, vm0, $0xb8;
	[tilespmem:$0xC780] =	vst v63  }
0x36: {  	s30 =	simm.s32 $0x1980  }
0x37: {  	[tilespmem:s30], [sflag:$0x1] =	stream.indirect_vreg.gather [hbm4b:s2+s28], $0x80, v8, vm0, $0xb8;
	[tilespmem:$0xC780] =	vst v63  }
0x38: {  	s30 =	simm.s32 $0x2180  }
0x39: {  	[tilespmem:s30], [sflag:$0x1] =	stream.indirect_vreg.gather [hbm4b:s11+s28], $0x80, v8, vm0, $0xb8;
	[tilespmem:$0xC780] =	vst v63  }
0x3a: {  	s30 =	simm.s32 $0x2980  }
0x3b: {  	[tilespmem:s30], [sflag:$0x1] =	stream.indirect_vreg.gather [hbm4b:s12+s28], $0x80, v8, vm0, $0xb8;
	[tilespmem:$0xC780] =	vst v63  }
0x3c: {  	v8 =	vld [tilespmem:$0x10];
	_ =	sdelay $0x4  }
0x3d: {  	v61 =	vshrl.u32 v8, $0x3  }
0x3e: {  	v9 =	vmul.u32 $0x30, v61  }
0x3f: {  	v8 =	vand.u32 $0x7, v8  }
0x40: {  	v8 =	vor.u32 v8, v9  }
0x41: {  	v9 =	vperm.xlane v8, v1;
	_ =	sdelay $0x1  }
0x42: {  	v9 =	vadd.s32 v2, v9;
	_ =	sdelay $0x3  }
0x43: {  	s30 =	simm.s32 $0x3180;
	v8 =	vperm.xlane v8, v3  }
0x44: {  	[tilespmem:s30], [sflag:$0x1] =	stream.indirect_vreg.gather [hbm4b:s2+s28], $0x80, v9, vm0, $0xb8;
	[tilespmem:$0xC780] =	vst v63  }
0x45: {  	v8 =	vadd.s32 v2, v8;
	s30 =	simm.s32 $0x3980  }
0x46: {  	[tilespmem:s30], [sflag:$0x1] =	stream.indirect_vreg.gather [hbm4b:s11+s28], $0x80, v9, vm0, $0xb8;
	[tilespmem:$0xC780] =	vst v63  }
0x47: {  	s30 =	simm.s32 $0x4180  }
0x48: {  	[tilespmem:s30], [sflag:$0x1] =	stream.indirect_vreg.gather [hbm4b:s12+s28], $0x80, v9, vm0, $0xb8;
	[tilespmem:$0xC780] =	vst v63  }
0x49: {  	s30 =	simm.s32 $0x4980  }
0x4a: {  	[tilespmem:s30], [sflag:$0x1] =	stream.indirect_vreg.gather [hbm4b:s2+s28], $0x80, v8, vm0, $0xb8;
	[tilespmem:$0xC780] =	vst v63  }
0x4b: {  	s30 =	simm.s32 $0x5180  }
0x4c: {  	[tilespmem:s30], [sflag:$0x1] =	stream.indirect_vreg.gather [hbm4b:s11+s28], $0x80, v8, vm0, $0xb8;
	[tilespmem:$0xC780] =	vst v63  }
0x4d: {  	_ = 	snop  }
0x4e: {  	[tilespmem:s0], [sflag:$0x1] =	stream.indirect_vreg.gather [hbm4b:s12+s28], $0x80, v8, vm0, $0xb8;
	[tilespmem:$0xC780] =	vst v63  }
0x4f: {  	v8 =	vld [tilespmem:$0x100];
	_ =	sdelay $0x4  }
0x50: {  	v62 =	vshrl.u32 v8, $0x3  }
0x51: {  	v9 =	vmul.u32 $0x30, v62  }
0x52: {  	v8 =	vand.u32 $0x7, v8  }
0x53: {  	v8 =	vor.u32 v8, v9  }
0x54: {  	v9 =	vperm.xlane v8, v1;
	_ =	sdelay $0x1  }
0x55: {  	v9 =	vadd.s32 v2, v9;
	_ =	sdelay $0x3  }
0x56: {  	v8 =	vperm.xlane v8, v3  }
0x57: {  	[tilespmem:s7], [sflag:$0x2] =	stream.indirect_vreg.gather [hbm4b:s8+s28], $0x80, v9, vm0, $0xb8;
	[tilespmem:$0xC780] =	vst v63  }
0x58: {  	v8 =	vadd.s32 v2, v8  }
0x59: {  	[tilespmem:s3], [sflag:$0x2] =	stream.indirect_vreg.gather [hbm4b:s13+s28], $0x80, v9, vm0, $0xb8;
	[tilespmem:$0xC780] =	vst v63  }
0x5a: {  	_ = 	snop  }
0x5b: {  	[tilespmem:s4], [sflag:$0x2] =	stream.indirect_vreg.gather [hbm4b:s14+s28], $0x80, v9, vm0, $0xb8;
	[tilespmem:$0xC780] =	vst v63  }
0x5c: {  	_ = 	snop  }
0x5d: {  	[tilespmem:s16], [sflag:$0x2] =	stream.indirect_vreg.gather [hbm4b:s8+s28], $0x80, v8, vm0, $0xb8;
	[tilespmem:$0xC780] =	vst v63  }
0x5e: {  	_ = 	snop  }
0x5f: {  	[tilespmem:s18], [sflag:$0x2] =	stream.indirect_vreg.gather [hbm4b:s13+s28], $0x80, v8, vm0, $0xb8;
	[tilespmem:$0xC780] =	vst v63  }
0x60: {  	_ = 	snop  }
0x61: {  	[tilespmem:s15], [sflag:$0x2] =	stream.indirect_vreg.gather [hbm4b:s14+s28], $0x80, v8, vm0, $0xb8;
	[tilespmem:$0xC780] =	vst v63  }
0x62: {  	v8 =	vld [tilespmem:$0x110];
	_ =	sdelay $0x4  }
0x63: {  	v63 =	vshrl.u32 v8, $0x3  }
0x64: {  	v9 =	vmul.u32 $0x30, v63  }
0x65: {  	v8 =	vand.u32 $0x7, v8  }
0x66: {  	v8 =	vor.u32 v8, v9  }
0x67: {  	v9 =	vperm.xlane v8, v1;
	_ =	sdelay $0x1  }
0x68: {  	v9 =	vadd.s32 v2, v9;
	_ =	sdelay $0x3  }
0x69: {  	v8 =	vperm.xlane v8, v3  }
0x6a: {  	[tilespmem:s1], [sflag:$0x2] =	stream.indirect_vreg.gather [hbm4b:s8+s28], $0x80, v9, vm0, $0xb8;
	[tilespmem:$0xC780] =	vst v63  }
0x6b: {  	v8 =	vadd.s32 v2, v8  }
0x6c: {  	[tilespmem:s5], [sflag:$0x2] =	stream.indirect_vreg.gather [hbm4b:s13+s28], $0x80, v9, vm0, $0xb8;
	[tilespmem:$0xC780] =	vst v63  }
0x6d: {  	_ = 	snop  }
0x6e: {  	[tilespmem:s19], [sflag:$0x2] =	stream.indirect_vreg.gather [hbm4b:s14+s28], $0x80, v9, vm0, $0xb8;
	[tilespmem:$0xC780] =	vst v63  }
0x6f: {  	_ = 	snop  }
0x70: {  	[tilespmem:s20], [sflag:$0x2] =	stream.indirect_vreg.gather [hbm4b:s8+s28], $0x80, v8, vm0, $0xb8;
	[tilespmem:$0xC780] =	vst v63  }
0x71: {  	_ = 	snop  }
0x72: {  	[tilespmem:s21], [sflag:$0x2] =	stream.indirect_vreg.gather [hbm4b:s13+s28], $0x80, v8, vm0, $0xb8;
	[tilespmem:$0xC780] =	vst v63  }
0x73: {  	_ = 	snop  }
0x74: {  	[tilespmem:s22], [sflag:$0x2] =	stream.indirect_vreg.gather [hbm4b:s14+s28], $0x80, v8, vm0, $0xb8;
	[tilespmem:$0xC780] =	vst v63  }
0x75: {  	_ =	swait.ge [sflag:s23], $0x6000  }
0x76: {  	[sflag:s23] =	ssyncset.done $0x0  }
0x77: {  	[sflag:s23] =	ssyncadd.s32 $0xFFFFA000  }
0x78: {  	_ =	swait.ge [sflag:s24], $0x6000  }
0x79: {  	[sflag:s24] =	ssyncset.done $0x0  }
0x7a: {  	s29 =	simm.s32 $0x0;
	[sflag:s24] =	ssyncadd.s32 $0xFFFFA000  }
.LBB2_3:
0x7b: {  	s6 =	sshrl.u32 s29, $0x3  }
0x7c: {  	s6 =	smul.u32 $0x1800, s6  }
0x7d: {  	s30 =	sand.u32 $0x380, s28  }
0x7e: {  	s6 =	sor.u32 s30, s6  }
0x7f: {  	v8 =	vld [tilespmem:s6+$0x180]  }
0x80: {  	v9 =	vld [tilespmem:s6+$0x6180]  }
0x81: {  	v10 =	vld [tilespmem:s6+$0x190]  }
0x82: {  	v11 =	vld [tilespmem:s6+$0x6190]  }
0x83: {  	v12 =	vld [tilespmem:s6+$0x1A0]  }
0x84: {  	v13 =	vld [tilespmem:s6+$0x61A0]  }
0x85: {  	v14 =	vld [tilespmem:s6+$0x1B0]  }
0x86: {  	v43 =	vld [tilespmem:s6+$0x1C0]  }
0x87: {  	v57 =	vadd.f32 v9, v8;
	v8 =	vld [tilespmem:s6+$0x61B0]  }
0x88: {  	v45 =	vld [tilespmem:s6+$0x61C0];
	v56 =	vadd.f32 v11, v10  }
0x89: {  	v46 =	vld [tilespmem:s6+$0x1D0];
	v44 =	vadd.f32 $0.0e+00, v57  }
0x8a: {  	v47 =	vld [tilespmem:s6+$0x61D0];
	v55 =	vadd.f32 v13, v12;
	v15 =	vmul.f32 v57, v57;
	v16 =	vmul.f32 v56, v56  }
0x8b: {  	v49 =	vld [tilespmem:s6+$0x61E0];
	v10 =	vadd.f32 v56, v44  }
0x8c: {  	v58 =	vld [tilespmem:s6+$0x1F0];
	v48 =	vmul.f32 v55, v55;
	v15 =	vadd.f32 v16, v15;
	v54 =	vadd.f32 v8, v14  }
0x8d: {  	v8 =	vld [tilespmem:s6+$0x1E0];
	v10 =	vadd.f32 v55, v10  }
0x8e: {  	v59 =	vld [tilespmem:s6+$0x61F0];
	v53 =	vadd.f32 v45, v43;
	v15 =	vadd.f32 v48, v15;
	v50 =	vmul.f32 v54, v54  }
0x8f: {  	v61 =	vld [tilespmem:s6+$0x580];
	v10 =	vadd.f32 v54, v10  }
0x90: {  	v62 =	vld [tilespmem:s6+$0x6580];
	v52 =	vadd.f32 v47, v46;
	v60 =	vmul.f32 v53, v53;
	v15 =	vadd.f32 v50, v15  }
0x91: {  	v20 =	vld [tilespmem:s6+$0x6590];
	v10 =	vadd.f32 v53, v10  }
0x92: {  	v63 =	vmul.f32 v52, v52;
	v51 =	vadd.f32 v49, v8;
	v8 =	vld [tilespmem:s6+$0x590];
	v15 =	vadd.f32 v60, v15  }
0x93: {  	v22 =	vld [tilespmem:s6+$0x5A0];
	v50 =	vadd.f32 v59, v58  }
0x94: {  	v23 =	vld [tilespmem:s6+$0x65A0];
	v10 =	vadd.f32 v52, v10;
	v21 =	vmul.f32 v51, v51;
	v15 =	vadd.f32 v63, v15  }
0x95: {  	v25 =	vld [tilespmem:s6+$0x5B0];
	v49 =	vadd.f32 v62, v61  }
0x96: {  	v26 =	vld [tilespmem:s6+$0x65B0];
	v24 =	vmul.f32 v50, v50;
	v10 =	vadd.f32 v51, v10;
	v15 =	vadd.f32 v21, v15  }
0x97: {  	v28 =	vld [tilespmem:s6+$0x65C0];
	v48 =	vadd.f32 v20, v8  }
0x98: {  	v27 =	vmul.f32 v49, v49;
	v8 =	vld [tilespmem:s6+$0x5C0];
	v10 =	vadd.f32 v50, v10;
	v15 =	vadd.f32 v24, v15  }
0x99: {  	v30 =	vld [tilespmem:s6+$0x5D0];
	v47 =	vadd.f32 v23, v22  }
0x9a: {  	v31 =	vld [tilespmem:s6+$0x65D0];
	v29 =	vmul.f32 v48, v48;
	v10 =	vadd.f32 v49, v10;
	v15 =	vadd.f32 v27, v15  }
0x9b: {  	v33 =	vld [tilespmem:s6+$0x5E0];
	v45 =	vadd.f32 v26, v25  }
0x9c: {  	v34 =	vld [tilespmem:s6+$0x65E0];
	v32 =	vmul.f32 v47, v47;
	v10 =	vadd.f32 v48, v10;
	v15 =	vadd.f32 v29, v15  }
0x9d: {  	v36 =	vld [tilespmem:s6+$0x65F0];
	v44 =	vadd.f32 v28, v8  }
0x9e: {  	v35 =	vmul.f32 v45, v45;
	v8 =	vld [tilespmem:s6+$0x5F0];
	v10 =	vadd.f32 v47, v10;
	v15 =	vadd.f32 v32, v15  }
0x9f: {  	v38 =	vld [tilespmem:s6+$0x980];
	v43 =	vadd.f32 v31, v30  }
0xa0: {  	v46 =	vld [tilespmem:s6+$0x6980];
	v37 =	vmul.f32 v44, v44;
	v10 =	vadd.f32 v45, v10;
	v15 =	vadd.f32 v35, v15  }
0xa1: {  	v42 =	vadd.f32 v34, v33;
	v59 =	vld [tilespmem:s6+$0x990]  }
0xa2: {  	v58 =	vmul.f32 v43, v43;
	v60 =	vld [tilespmem:s6+$0x6990];
	v10 =	vadd.f32 v44, v10;
	v15 =	vadd.f32 v37, v15  }
0xa3: {  	v62 =	vld [tilespmem:s6+$0x69A0];
	v41 =	vadd.f32 v36, v8  }
0xa4: {  	v61 =	vmul.f32 v42, v42;
	v8 =	vld [tilespmem:s6+$0x9A0];
	v10 =	vadd.f32 v43, v10;
	v15 =	vadd.f32 v58, v15  }
0xa5: {  	v40 =	vadd.f32 v46, v38;
	v20 =	vld [tilespmem:s6+$0x9B0]  }
0xa6: {  	v21 =	vld [tilespmem:s6+$0x69B0];
	v63 =	vmul.f32 v41, v41;
	v10 =	vadd.f32 v42, v10;
	v15 =	vadd.f32 v61, v15  }
0xa7: {  	v23 =	vld [tilespmem:s6+$0x9C0];
	v39 =	vadd.f32 v60, v59  }
0xa8: {  	v22 =	vmul.f32 v40, v40;
	v24 =	vld [tilespmem:s6+$0x69C0];
	v10 =	vadd.f32 v41, v10;
	v15 =	vadd.f32 v63, v15  }
0xa9: {  	v26 =	vld [tilespmem:s6+$0x69D0];
	v38 =	vadd.f32 v62, v8  }
0xaa: {  	v25 =	vmul.f32 v39, v39;
	v8 =	vld [tilespmem:s6+$0x9D0];
	v10 =	vadd.f32 v40, v10;
	v15 =	vadd.f32 v22, v15  }
0xab: {  	v28 =	vld [tilespmem:s6+$0x9E0];
	v37 =	vadd.f32 v21, v20  }
0xac: {  	v29 =	vld [tilespmem:s6+$0x69E0];
	v27 =	vmul.f32 v38, v38;
	v10 =	vadd.f32 v39, v10;
	v15 =	vadd.f32 v25, v15  }
0xad: {  	v31 =	vld [tilespmem:s6+$0x9F0];
	v36 =	vadd.f32 v24, v23  }
0xae: {  	v46 =	vld [tilespmem:s6+$0x69F0];
	v30 =	vmul.f32 v37, v37;
	v10 =	vadd.f32 v38, v10;
	v15 =	vadd.f32 v27, v15  }
0xaf: {  	v59 =	vld [tilespmem:s6+$0x6D80];
	v35 =	vadd.f32 v26, v8  }
0xb0: {  	v58 =	vmul.f32 v36, v36;
	v8 =	vld [tilespmem:s6+$0xD80];
	v10 =	vadd.f32 v37, v10;
	v15 =	vadd.f32 v30, v15  }
0xb1: {  	v34 =	vadd.f32 v29, v28;
	v62 =	vld [tilespmem:s6+$0x6D90]  }
0xb2: {  	v61 =	vld [tilespmem:s6+$0xD90];
	v60 =	vmul.f32 v35, v35;
	v10 =	vadd.f32 v36, v10;
	v15 =	vadd.f32 v58, v15  }
0xb3: {  	v33 =	vadd.f32 v46, v31;
	v20 =	vld [tilespmem:s6+$0xDA0]  }
0xb4: {  	v21 =	vld [tilespmem:s6+$0x6DA0];
	v63 =	vmul.f32 v34, v34;
	v10 =	vadd.f32 v35, v10;
	v15 =	vadd.f32 v60, v15  }
0xb5: {  	v23 =	vld [tilespmem:s6+$0x6DB0];
	v32 =	vadd.f32 v59, v8  }
0xb6: {  	v22 =	vmul.f32 v33, v33;
	v8 =	vld [tilespmem:s6+$0xDB0];
	v10 =	vadd.f32 v34, v10;
	v15 =	vadd.f32 v63, v15  }
0xb7: {  	v26 =	vld [tilespmem:s6+$0x6DC0];
	v31 =	vadd.f32 v62, v61  }
0xb8: {  	v25 =	vld [tilespmem:s6+$0xDC0];
	v24 =	vmul.f32 v32, v32;
	v10 =	vadd.f32 v33, v10;
	v15 =	vadd.f32 v22, v15  }
0xb9: {  	v59 =	vld [tilespmem:s6+$0x6DD0];
	v30 =	vadd.f32 v21, v20  }
0xba: {  	v46 =	vmul.f32 v31, v31;
	v58 =	vld [tilespmem:s6+$0xDD0];
	v10 =	vadd.f32 v32, v10;
	v15 =	vadd.f32 v24, v15  }
0xbb: {  	v61 =	vld [tilespmem:s6+$0x6DE0];
	v29 =	vadd.f32 v23, v8  }
0xbc: {  	v60 =	vmul.f32 v30, v30;
	v8 =	vld [tilespmem:s6+$0xDE0];
	v10 =	vadd.f32 v31, v10;
	v15 =	vadd.f32 v46, v15  }
0xbd: {  	v20 =	vld [tilespmem:s6+$0x6DF0];
	v28 =	vadd.f32 v26, v25  }
0xbe: {  	v62 =	vmul.f32 v29, v29;
	v63 =	vld [tilespmem:s6+$0xDF0];
	v10 =	vadd.f32 v30, v10;
	v15 =	vadd.f32 v60, v15  }
0xbf: {  	v23 =	vld [tilespmem:s6+$0x7180];
	v27 =	vadd.f32 v59, v58  }
0xc0: {  	v21 =	vmul.f32 v28, v28;
	v22 =	vld [tilespmem:s6+$0x1180];
	v10 =	vadd.f32 v29, v10;
	v15 =	vadd.f32 v62, v15  }
0xc1: {  	v25 =	vadd.f32 v61, v8;
	v8 =	vld [tilespmem:s6+$0x1190]  }
0xc2: {  	v59 =	vmul.f32 v27, v27;
	v60 =	vld [tilespmem:s6+$0x7190];
	v10 =	vadd.f32 v28, v10;
	v15 =	vadd.f32 v21, v15  }
0xc3: {  	v58 =	vld [tilespmem:s6+$0x11A0];
	v24 =	vadd.f32 v20, v63  }
0xc4: {  	v61 =	vld [tilespmem:s6+$0x71A0];
	v46 =	vmul.f32 v25, v25;
	v10 =	vadd.f32 v27, v10;
	v15 =	vadd.f32 v59, v15  }
0xc5: {  	v26 =	vld [tilespmem:s6+$0x71B0];
	v23 =	vadd.f32 v23, v22  }
0xc6: {  	v63 =	vld [tilespmem:s6+$0x11B0];
	v62 =	vmul.f32 v24, v24;
	v10 =	vadd.f32 v25, v10;
	v15 =	vadd.f32 v46, v15  }
0xc7: {  	v22 =	vadd.f32 v60, v8;
	v8 =	vld [tilespmem:s6+$0x11C0]  }
0xc8: {  	v60 =	vld [tilespmem:s6+$0x71C0];
	v59 =	vmul.f32 v23, v23;
	v10 =	vadd.f32 v24, v10;
	v15 =	vadd.f32 v62, v15  }
0xc9: {  	v21 =	vadd.f32 v61, v58;
	v58 =	vld [tilespmem:s6+$0x11D0]  }
0xca: {  	v61 =	vld [tilespmem:s6+$0x71D0];
	v46 =	vmul.f32 v22, v22;
	v10 =	vadd.f32 v23, v10;
	v15 =	vadd.f32 v59, v15  }
0xcb: {  	v20 =	vadd.f32 v26, v63;
	v63 =	vld [tilespmem:s6+$0x11E0]  }
0xcc: {  	v26 =	vld [tilespmem:s6+$0x71E0];
	v62 =	vmul.f32 v21, v21;
	v10 =	vadd.f32 v22, v10;
	v15 =	vadd.f32 v46, v15  }
0xcd: {  	v19 =	vadd.f32 v60, v8;
	v8 =	vld [tilespmem:s6+$0x11F0]  }
0xce: {  	v60 =	vld [tilespmem:s6+$0x71F0];
	v59 =	vmul.f32 v20, v20;
	v10 =	vadd.f32 v21, v10;
	v15 =	vadd.f32 v62, v15  }
0xcf: {  	v18 =	vadd.f32 v61, v58  }
0xd0: {  	v9 =	vld [tilespmem:s6+$0x1580];
	v46 =	vmul.f32 v19, v19;
	v10 =	vadd.f32 v20, v10;
	v15 =	vadd.f32 v59, v15  }
0xd1: {  	v17 =	vadd.f32 v26, v63;
	v63 =	vld [tilespmem:s6+$0x7590]  }
0xd2: {  	v58 =	vld [tilespmem:s6+$0x7580];
	v61 =	vmul.f32 v18, v18;
	v10 =	vadd.f32 v19, v10;
	v15 =	vadd.f32 v46, v15  }
0xd3: {  	v16 =	vadd.f32 v60, v8;
	v8 =	vld [tilespmem:s6+$0x15A0]  }
0xd4: {  	v26 =	vmul.f32 v17, v17;
	v62 =	vld [tilespmem:s6+$0x1590];
	v10 =	vadd.f32 v18, v10;
	v15 =	vadd.f32 v61, v15  }
0xd5: {  	v46 =	vld [tilespmem:s6+$0x75A0]  }
0xd6: {  	v11 =	vld [tilespmem:s6+$0x75B0];
	v60 =	vmul.f32 v16, v16;
	v10 =	vadd.f32 v17, v10;
	v59 =	vadd.f32 v26, v15  }
0xd7: {  	v15 =	vadd.f32 v58, v9;
	v9 =	vld [tilespmem:s6+$0x15B0]  }
0xd8: {  	v10 =	vadd.f32 v16, v10;
	v26 =	vadd.f32 v60, v59;
	v59 =	vld [tilespmem:s6+$0x15C0]  }
0xd9: {  	v14 =	vadd.f32 v63, v62;
	v58 =	vmul.f32 v15, v15;
	v60 =	vld [tilespmem:s6+$0x75C0]  }
0xda: {  	v13 =	vadd.f32 v46, v8;
	v8 =	vld [tilespmem:s6+$0x15D0];
	v10 =	vadd.f32 v15, v10  }
0xdb: {  	v62 =	vmul.f32 v14, v14;
	v46 =	vld [tilespmem:s6+$0x75D0];
	v61 =	vadd.f32 v58, v26  }
0xdc: {  	v10 =	vadd.f32 v14, v10  }
0xdd: {  	v58 =	vmul.f32 v13, v13;
	v12 =	vadd.f32 v11, v9;
	v26 =	vadd.f32 v62, v61;
	v61 =	vld [tilespmem:s6+$0x15E0]  }
0xde: {  	v9 =	vadd.f32 v13, v10;
	v11 =	vadd.f32 v60, v59;
	v59 =	vld [tilespmem:s6+$0x15F0]  }
0xdf: {  	v62 =	vmul.f32 v12, v12;
	v63 =	vadd.f32 v58, v26;
	v58 =	vld [tilespmem:s6+$0x75E0]  }
0xe0: {  	v10 =	vadd.f32 v46, v8;
	v8 =	vld [tilespmem:s6+$0x75F0];
	v9 =	vadd.f32 v12, v9  }
0xe1: {  	v60 =	vmul.f32 v11, v11;
	v26 =	vadd.f32 v62, v63  }
0xe2: {  	v46 =	vadd.f32 v11, v9  }
0xe3: {  	v26 =	vadd.f32 v60, v26  }
0xe4: {  	v60 =	vmul.f32 v10, v10;
	v9 =	vadd.f32 v58, v61;
	v46 =	vadd.f32 v10, v46  }
0xe5: {  	v8 =	vadd.f32 v8, v59  }
0xe6: {  	v26 =	vadd.f32 v60, v26;
	v46 =	vadd.f32 v9, v46;
	v58 =	vmul.f32 v9, v9;
	_ =	sdelay $0x1  }
0xe7: {  	v63 =	vmul.f32 v8, v8;
	v26 =	vadd.f32 v58, v26;
	v46 =	vadd.f32 v8, v46;
	_ =	sdelay $0x1  }
0xe8: {  	v26 =	vadd.f32 v63, v26;
	v60 =	vperm.xlane v46, v4;
	_ =	sdelay $0x1  }
0xe9: {  	v46 =	vadd.f32 v46, v60;
	v61 =	vperm.xlane v26, v4;
	_ =	sdelay $0x1  }
0xea: {  	v62 =	vperm.xlane v46, v5;
	v26 =	vadd.f32 v61, v26;
	_ =	sdelay $0x1  }
0xeb: {  	v46 =	vadd.f32 v46, v62;
	v58 =	vperm.xlane v26, v5;
	_ =	sdelay $0x1  }
0xec: {  	v59 =	vperm.xlane v46, v6;
	v26 =	vadd.f32 v58, v26;
	_ =	sdelay $0x1  }
0xed: {  	v46 =	vadd.f32 v46, v59;
	v58 =	vperm.xlane v26, v6;
	_ =	sdelay $0x1  }
0xee: {  	v59 =	vperm.xlane v46, v7;
	v58 =	vadd.f32 v58, v26;
	_ =	sdelay $0x1  }
0xef: {  	v63 =	vadd.f32 v46, v59;
	v59 =	vperm.xlane v58, v7;
	_ =	sdelay $0x1  }
0xf0: {  	v26 =	vmul.f32 $1.302083370e-03, v63;
	v46 =	vadd.f32 v59, v58;
	_ =	sdelay $0x1  }
0xf1: {  	v46 =	vmul.f32 $1.302083370e-03, v46;
	v60 =	vmul.f32 v26, v26;
	_ =	sdelay $0x1  }
0xf2: {  	v46 =	vsub.f32 v46, v60;
	_ =	sdelay $0x1  }
0xf3: {  	v46 =	vadd.f32 $9.999999960e-13, v46;
	_ =	sdelay $0x1  }
0xf4: {  	v61 =	vshrl.u32 v46, $0x1;
	v46 =	vmul.f32 $5.000000000e-01, v46  }
0xf5: {  	v58 =	vsub.s32 $0x5F3759DF, v61  }
0xf6: {  	v62 =	vmul.f32 v58, v46;
	_ =	sdelay $0x1  }
0xf7: {  	v59 =	vmul.f32 v58, v62;
	_ =	sdelay $0x1  }
0xf8: {  	v59 =	vsub.f32 $1.500000000e+00, v59;
	_ =	sdelay $0x1  }
0xf9: {  	v58 =	vmul.f32 v58, v59;
	_ =	sdelay $0x1  }
0xfa: {  	v59 =	vmul.f32 v58, v46;
	_ =	sdelay $0x1  }
0xfb: {  	v59 =	vmul.f32 v59, v58;
	_ =	sdelay $0x1  }
0xfc: {  	v59 =	vsub.f32 $1.500000000e+00, v59;
	_ =	sdelay $0x1  }
0xfd: {  	v58 =	vmul.f32 v59, v58;
	_ =	sdelay $0x1  }
0xfe: {  	v46 =	vmul.f32 v58, v46;
	_ =	sdelay $0x1  }
0xff: {  	v46 =	vmul.f32 v46, v58;
	_ =	sdelay $0x1  }
0x100: {  	v46 =	vsub.f32 $1.500000000e+00, v46  }
0x101: {  	v63 =	vld [tilespmem:$0xC180]  }
0x102: {  	v57 =	vsub.f32 v57, v26;
	v46 =	vmul.f32 v46, v58  }
0x103: {  	v60 =	vld [tilespmem:$0xC480]  }
0x104: {  	v57 =	vmul.f32 v46, v57;
	_ =	sdelay $0x1  }
0x105: {  	v57 =	vmul.f32 v57, v63;
	_ =	sdelay $0x1  }
0x106: {  	v57 =	vadd.f32 v57, v60;
	_ =	sdelay $0x1  }
0x107: {  	[tilespmem:s6+$0x6180] =	vst v57  }
0x108: {  	v57 =	vld [tilespmem:$0xC190]  }
0x109: {  	v56 =	vsub.f32 v56, v26  }
0x10a: {  	v61 =	vld [tilespmem:$0xC490]  }
0x10b: {  	v56 =	vmul.f32 v46, v56;
	_ =	sdelay $0x1  }
0x10c: {  	v56 =	vmul.f32 v56, v57;
	_ =	sdelay $0x1  }
0x10d: {  	v56 =	vadd.f32 v56, v61;
	_ =	sdelay $0x1  }
0x10e: {  	[tilespmem:s6+$0x6190] =	vst v56  }
0x10f: {  	v56 =	vld [tilespmem:$0xC1A0]  }
0x110: {  	v55 =	vsub.f32 v55, v26  }
0x111: {  	v62 =	vld [tilespmem:$0xC4A0]  }
0x112: {  	v55 =	vmul.f32 v46, v55;
	_ =	sdelay $0x1  }
0x113: {  	v55 =	vmul.f32 v55, v56;
	_ =	sdelay $0x1  }
0x114: {  	v55 =	vadd.f32 v55, v62;
	_ =	sdelay $0x1  }
0x115: {  	[tilespmem:s6+$0x61A0] =	vst v55  }
0x116: {  	v55 =	vld [tilespmem:$0xC1B0]  }
0x117: {  	v54 =	vsub.f32 v54, v26  }
0x118: {  	v63 =	vld [tilespmem:$0xC4B0]  }
0x119: {  	v54 =	vmul.f32 v46, v54;
	_ =	sdelay $0x1  }
0x11a: {  	v54 =	vmul.f32 v54, v55;
	_ =	sdelay $0x1  }
0x11b: {  	v54 =	vadd.f32 v54, v63;
	_ =	sdelay $0x1  }
0x11c: {  	[tilespmem:s6+$0x61B0] =	vst v54  }
0x11d: {  	v54 =	vld [tilespmem:$0xC1C0]  }
0x11e: {  	v53 =	vsub.f32 v53, v26  }
0x11f: {  	v57 =	vld [tilespmem:$0xC4C0]  }
0x120: {  	v53 =	vmul.f32 v46, v53;
	_ =	sdelay $0x1  }
0x121: {  	v53 =	vmul.f32 v53, v54;
	_ =	sdelay $0x1  }
0x122: {  	v53 =	vadd.f32 v53, v57;
	_ =	sdelay $0x1  }
0x123: {  	[tilespmem:s6+$0x61C0] =	vst v53  }
0x124: {  	v53 =	vld [tilespmem:$0xC1D0]  }
0x125: {  	v52 =	vsub.f32 v52, v26  }
0x126: {  	v58 =	vld [tilespmem:$0xC4D0]  }
0x127: {  	v52 =	vmul.f32 v46, v52;
	_ =	sdelay $0x1  }
0x128: {  	v52 =	vmul.f32 v52, v53;
	_ =	sdelay $0x1  }
0x129: {  	v52 =	vadd.f32 v52, v58;
	_ =	sdelay $0x1  }
0x12a: {  	[tilespmem:s6+$0x61D0] =	vst v52  }
0x12b: {  	v52 =	vld [tilespmem:$0xC1E0]  }
0x12c: {  	v51 =	vsub.f32 v51, v26  }
0x12d: {  	v59 =	vld [tilespmem:$0xC4E0]  }
0x12e: {  	v51 =	vmul.f32 v46, v51;
	_ =	sdelay $0x1  }
0x12f: {  	v51 =	vmul.f32 v51, v52;
	_ =	sdelay $0x1  }
0x130: {  	v51 =	vadd.f32 v51, v59;
	_ =	sdelay $0x1  }
0x131: {  	[tilespmem:s6+$0x61E0] =	vst v51  }
0x132: {  	v51 =	vld [tilespmem:$0xC1F0]  }
0x133: {  	v50 =	vsub.f32 v50, v26  }
0x134: {  	v60 =	vld [tilespmem:$0xC4F0]  }
0x135: {  	v50 =	vmul.f32 v46, v50;
	_ =	sdelay $0x1  }
0x136: {  	v50 =	vmul.f32 v51, v50;
	_ =	sdelay $0x1  }
0x137: {  	v50 =	vadd.f32 v60, v50;
	_ =	sdelay $0x1  }
0x138: {  	[tilespmem:s6+$0x61F0] =	vst v50  }
0x139: {  	v50 =	vld [tilespmem:$0xC200]  }
0x13a: {  	v49 =	vsub.f32 v49, v26  }
0x13b: {  	v61 =	vld [tilespmem:$0xC500]  }
0x13c: {  	v49 =	vmul.f32 v46, v49;
	_ =	sdelay $0x1  }
0x13d: {  	v49 =	vmul.f32 v50, v49;
	_ =	sdelay $0x1  }
0x13e: {  	v49 =	vadd.f32 v61, v49;
	_ =	sdelay $0x1  }
0x13f: {  	[tilespmem:s6+$0x6580] =	vst v49  }
0x140: {  	v49 =	vld [tilespmem:$0xC210]  }
0x141: {  	v48 =	vsub.f32 v48, v26  }
0x142: {  	v62 =	vld [tilespmem:$0xC510]  }
0x143: {  	v48 =	vmul.f32 v46, v48;
	_ =	sdelay $0x1  }
0x144: {  	v48 =	vmul.f32 v49, v48;
	_ =	sdelay $0x1  }
0x145: {  	v48 =	vadd.f32 v62, v48;
	_ =	sdelay $0x1  }
0x146: {  	[tilespmem:s6+$0x6590] =	vst v48  }
0x147: {  	v48 =	vld [tilespmem:$0xC220]  }
0x148: {  	v47 =	vsub.f32 v47, v26  }
0x149: {  	v63 =	vld [tilespmem:$0xC520]  }
0x14a: {  	v47 =	vmul.f32 v46, v47;
	_ =	sdelay $0x1  }
0x14b: {  	v47 =	vmul.f32 v48, v47;
	_ =	sdelay $0x1  }
0x14c: {  	v47 =	vadd.f32 v63, v47;
	_ =	sdelay $0x1  }
0x14d: {  	[tilespmem:s6+$0x65A0] =	vst v47  }
0x14e: {  	v47 =	vld [tilespmem:$0xC230]  }
0x14f: {  	v45 =	vsub.f32 v45, v26  }
0x150: {  	v52 =	vld [tilespmem:$0xC530]  }
0x151: {  	v45 =	vmul.f32 v46, v45;
	_ =	sdelay $0x1  }
0x152: {  	v45 =	vmul.f32 v47, v45;
	_ =	sdelay $0x1  }
0x153: {  	v45 =	vadd.f32 v52, v45;
	_ =	sdelay $0x1  }
0x154: {  	[tilespmem:s6+$0x65B0] =	vst v45  }
0x155: {  	v45 =	vld [tilespmem:$0xC240]  }
0x156: {  	v44 =	vsub.f32 v44, v26  }
0x157: {  	v53 =	vld [tilespmem:$0xC540]  }
0x158: {  	v44 =	vmul.f32 v46, v44;
	_ =	sdelay $0x1  }
0x159: {  	v44 =	vmul.f32 v45, v44;
	_ =	sdelay $0x1  }
0x15a: {  	v44 =	vadd.f32 v53, v44;
	_ =	sdelay $0x1  }
0x15b: {  	[tilespmem:s6+$0x65C0] =	vst v44  }
0x15c: {  	v44 =	vld [tilespmem:$0xC250]  }
0x15d: {  	v43 =	vsub.f32 v43, v26  }
0x15e: {  	v54 =	vld [tilespmem:$0xC550]  }
0x15f: {  	v43 =	vmul.f32 v46, v43;
	_ =	sdelay $0x1  }
0x160: {  	v43 =	vmul.f32 v44, v43;
	_ =	sdelay $0x1  }
0x161: {  	v43 =	vadd.f32 v54, v43;
	_ =	sdelay $0x1  }
0x162: {  	[tilespmem:s6+$0x65D0] =	vst v43  }
0x163: {  	v43 =	vld [tilespmem:$0xC260]  }
0x164: {  	v42 =	vsub.f32 v42, v26  }
0x165: {  	v55 =	vld [tilespmem:$0xC560]  }
0x166: {  	v42 =	vmul.f32 v46, v42;
	_ =	sdelay $0x1  }
0x167: {  	v42 =	vmul.f32 v43, v42;
	_ =	sdelay $0x1  }
0x168: {  	v42 =	vadd.f32 v55, v42;
	_ =	sdelay $0x1  }
0x169: {  	[tilespmem:s6+$0x65E0] =	vst v42  }
0x16a: {  	v42 =	vld [tilespmem:$0xC270]  }
0x16b: {  	v41 =	vsub.f32 v41, v26  }
0x16c: {  	v56 =	vld [tilespmem:$0xC570]  }
0x16d: {  	v41 =	vmul.f32 v46, v41;
	_ =	sdelay $0x1  }
0x16e: {  	v41 =	vmul.f32 v42, v41;
	_ =	sdelay $0x1  }
0x16f: {  	v41 =	vadd.f32 v56, v41;
	_ =	sdelay $0x1  }
0x170: {  	[tilespmem:s6+$0x65F0] =	vst v41  }
0x171: {  	v41 =	vld [tilespmem:$0xC280]  }
0x172: {  	v40 =	vsub.f32 v40, v26  }
0x173: {  	v57 =	vld [tilespmem:$0xC580]  }
0x174: {  	v40 =	vmul.f32 v46, v40;
	_ =	sdelay $0x1  }
0x175: {  	v40 =	vmul.f32 v41, v40;
	_ =	sdelay $0x1  }
0x176: {  	v40 =	vadd.f32 v57, v40;
	_ =	sdelay $0x1  }
0x177: {  	[tilespmem:s6+$0x6980] =	vst v40  }
0x178: {  	v40 =	vld [tilespmem:$0xC290]  }
0x179: {  	v39 =	vsub.f32 v39, v26  }
0x17a: {  	v58 =	vld [tilespmem:$0xC590]  }
0x17b: {  	v39 =	vmul.f32 v46, v39;
	_ =	sdelay $0x1  }
0x17c: {  	v39 =	vmul.f32 v40, v39;
	_ =	sdelay $0x1  }
0x17d: {  	v39 =	vadd.f32 v58, v39;
	_ =	sdelay $0x1  }
0x17e: {  	[tilespmem:s6+$0x6990] =	vst v39  }
0x17f: {  	v39 =	vld [tilespmem:$0xC2A0]  }
0x180: {  	v38 =	vsub.f32 v38, v26  }
0x181: {  	v59 =	vld [tilespmem:$0xC5A0]  }
0x182: {  	v38 =	vmul.f32 v46, v38;
	_ =	sdelay $0x1  }
0x183: {  	v38 =	vmul.f32 v39, v38;
	_ =	sdelay $0x1  }
0x184: {  	v38 =	vadd.f32 v59, v38;
	_ =	sdelay $0x1  }
0x185: {  	[tilespmem:s6+$0x69A0] =	vst v38  }
0x186: {  	v38 =	vld [tilespmem:$0xC2B0]  }
0x187: {  	v37 =	vsub.f32 v37, v26  }
0x188: {  	v60 =	vld [tilespmem:$0xC5B0]  }
0x189: {  	v37 =	vmul.f32 v46, v37;
	_ =	sdelay $0x1  }
0x18a: {  	v37 =	vmul.f32 v38, v37;
	_ =	sdelay $0x1  }
0x18b: {  	v37 =	vadd.f32 v60, v37;
	_ =	sdelay $0x1  }
0x18c: {  	[tilespmem:s6+$0x69B0] =	vst v37  }
0x18d: {  	v37 =	vld [tilespmem:$0xC2C0]  }
0x18e: {  	v36 =	vsub.f32 v36, v26  }
0x18f: {  	v61 =	vld [tilespmem:$0xC5C0]  }
0x190: {  	v36 =	vmul.f32 v46, v36;
	_ =	sdelay $0x1  }
0x191: {  	v36 =	vmul.f32 v37, v36;
	_ =	sdelay $0x1  }
0x192: {  	v36 =	vadd.f32 v61, v36;
	_ =	sdelay $0x1  }
0x193: {  	[tilespmem:s6+$0x69C0] =	vst v36  }
0x194: {  	v36 =	vld [tilespmem:$0xC2D0]  }
0x195: {  	v35 =	vsub.f32 v35, v26  }
0x196: {  	v62 =	vld [tilespmem:$0xC5D0]  }
0x197: {  	v35 =	vmul.f32 v46, v35;
	_ =	sdelay $0x1  }
0x198: {  	v35 =	vmul.f32 v36, v35;
	_ =	sdelay $0x1  }
0x199: {  	v35 =	vadd.f32 v62, v35;
	_ =	sdelay $0x1  }
0x19a: {  	[tilespmem:s6+$0x69D0] =	vst v35  }
0x19b: {  	v35 =	vld [tilespmem:$0xC2E0]  }
0x19c: {  	v34 =	vsub.f32 v34, v26  }
0x19d: {  	v63 =	vld [tilespmem:$0xC5E0]  }
0x19e: {  	v34 =	vmul.f32 v46, v34;
	_ =	sdelay $0x1  }
0x19f: {  	v34 =	vmul.f32 v35, v34;
	_ =	sdelay $0x1  }
0x1a0: {  	v34 =	vadd.f32 v63, v34;
	_ =	sdelay $0x1  }
0x1a1: {  	[tilespmem:s6+$0x69E0] =	vst v34  }
0x1a2: {  	v34 =	vld [tilespmem:$0xC2F0]  }
0x1a3: {  	v33 =	vsub.f32 v33, v26  }
0x1a4: {  	v38 =	vld [tilespmem:$0xC5F0]  }
0x1a5: {  	v33 =	vmul.f32 v46, v33;
	_ =	sdelay $0x1  }
0x1a6: {  	v33 =	vmul.f32 v34, v33;
	_ =	sdelay $0x1  }
0x1a7: {  	v33 =	vadd.f32 v38, v33;
	_ =	sdelay $0x1  }
0x1a8: {  	[tilespmem:s6+$0x69F0] =	vst v33  }
0x1a9: {  	v33 =	vld [tilespmem:$0xC300]  }
0x1aa: {  	v32 =	vsub.f32 v32, v26  }
0x1ab: {  	v39 =	vld [tilespmem:$0xC600]  }
0x1ac: {  	v32 =	vmul.f32 v46, v32;
	_ =	sdelay $0x1  }
0x1ad: {  	v32 =	vmul.f32 v33, v32;
	_ =	sdelay $0x1  }
0x1ae: {  	v32 =	vadd.f32 v39, v32;
	_ =	sdelay $0x1  }
0x1af: {  	[tilespmem:s6+$0x6D80] =	vst v32  }
0x1b0: {  	v32 =	vld [tilespmem:$0xC310]  }
0x1b1: {  	v31 =	vsub.f32 v31, v26  }
0x1b2: {  	v40 =	vld [tilespmem:$0xC610]  }
0x1b3: {  	v31 =	vmul.f32 v46, v31;
	_ =	sdelay $0x1  }
0x1b4: {  	v31 =	vmul.f32 v32, v31;
	_ =	sdelay $0x1  }
0x1b5: {  	v31 =	vadd.f32 v40, v31;
	_ =	sdelay $0x1  }
0x1b6: {  	[tilespmem:s6+$0x6D90] =	vst v31  }
0x1b7: {  	v31 =	vld [tilespmem:$0xC320]  }
0x1b8: {  	v30 =	vsub.f32 v30, v26  }
0x1b9: {  	v41 =	vld [tilespmem:$0xC620]  }
0x1ba: {  	v30 =	vmul.f32 v46, v30;
	_ =	sdelay $0x1  }
0x1bb: {  	v30 =	vmul.f32 v31, v30;
	_ =	sdelay $0x1  }
0x1bc: {  	v30 =	vadd.f32 v41, v30;
	_ =	sdelay $0x1  }
0x1bd: {  	[tilespmem:s6+$0x6DA0] =	vst v30  }
0x1be: {  	v30 =	vld [tilespmem:$0xC330]  }
0x1bf: {  	v29 =	vsub.f32 v29, v26  }
0x1c0: {  	v42 =	vld [tilespmem:$0xC630]  }
0x1c1: {  	v29 =	vmul.f32 v46, v29;
	_ =	sdelay $0x1  }
0x1c2: {  	v29 =	vmul.f32 v30, v29;
	_ =	sdelay $0x1  }
0x1c3: {  	v29 =	vadd.f32 v42, v29;
	_ =	sdelay $0x1  }
0x1c4: {  	[tilespmem:s6+$0x6DB0] =	vst v29  }
0x1c5: {  	v29 =	vld [tilespmem:$0xC340]  }
0x1c6: {  	v28 =	vsub.f32 v28, v26  }
0x1c7: {  	v43 =	vld [tilespmem:$0xC640]  }
0x1c8: {  	v28 =	vmul.f32 v46, v28;
	_ =	sdelay $0x1  }
0x1c9: {  	v28 =	vmul.f32 v29, v28;
	_ =	sdelay $0x1  }
0x1ca: {  	v28 =	vadd.f32 v43, v28;
	_ =	sdelay $0x1  }
0x1cb: {  	[tilespmem:s6+$0x6DC0] =	vst v28  }
0x1cc: {  	v28 =	vld [tilespmem:$0xC350]  }
0x1cd: {  	v27 =	vsub.f32 v27, v26  }
0x1ce: {  	v44 =	vld [tilespmem:$0xC650]  }
0x1cf: {  	v27 =	vmul.f32 v46, v27;
	_ =	sdelay $0x1  }
0x1d0: {  	v27 =	vmul.f32 v28, v27;
	_ =	sdelay $0x1  }
0x1d1: {  	v27 =	vadd.f32 v44, v27;
	_ =	sdelay $0x1  }
0x1d2: {  	[tilespmem:s6+$0x6DD0] =	vst v27  }
0x1d3: {  	v27 =	vld [tilespmem:$0xC360]  }
0x1d4: {  	v25 =	vsub.f32 v25, v26  }
0x1d5: {  	v45 =	vld [tilespmem:$0xC660]  }
0x1d6: {  	v25 =	vmul.f32 v46, v25;
	_ =	sdelay $0x1  }
0x1d7: {  	v25 =	vmul.f32 v27, v25;
	_ =	sdelay $0x1  }
0x1d8: {  	v25 =	vadd.f32 v45, v25;
	_ =	sdelay $0x1  }
0x1d9: {  	[tilespmem:s6+$0x6DE0] =	vst v25  }
0x1da: {  	v25 =	vld [tilespmem:$0xC370]  }
0x1db: {  	v24 =	vsub.f32 v24, v26  }
0x1dc: {  	v47 =	vld [tilespmem:$0xC670]  }
0x1dd: {  	v24 =	vmul.f32 v46, v24;
	_ =	sdelay $0x1  }
0x1de: {  	v24 =	vmul.f32 v25, v24;
	_ =	sdelay $0x1  }
0x1df: {  	v24 =	vadd.f32 v47, v24;
	_ =	sdelay $0x1  }
0x1e0: {  	[tilespmem:s6+$0x6DF0] =	vst v24  }
0x1e1: {  	v24 =	vld [tilespmem:$0xC380]  }
0x1e2: {  	v23 =	vsub.f32 v23, v26  }
0x1e3: {  	v48 =	vld [tilespmem:$0xC680]  }
0x1e4: {  	v23 =	vmul.f32 v46, v23;
	_ =	sdelay $0x1  }
0x1e5: {  	v23 =	vmul.f32 v24, v23;
	_ =	sdelay $0x1  }
0x1e6: {  	v23 =	vadd.f32 v48, v23;
	_ =	sdelay $0x1  }
0x1e7: {  	[tilespmem:s6+$0x7180] =	vst v23  }
0x1e8: {  	v23 =	vld [tilespmem:$0xC390]  }
0x1e9: {  	v22 =	vsub.f32 v22, v26  }
0x1ea: {  	v49 =	vld [tilespmem:$0xC690]  }
0x1eb: {  	v22 =	vmul.f32 v46, v22;
	_ =	sdelay $0x1  }
0x1ec: {  	v22 =	vmul.f32 v23, v22;
	_ =	sdelay $0x1  }
0x1ed: {  	v22 =	vadd.f32 v49, v22;
	_ =	sdelay $0x1  }
0x1ee: {  	[tilespmem:s6+$0x7190] =	vst v22  }
0x1ef: {  	v22 =	vld [tilespmem:$0xC3A0]  }
0x1f0: {  	v21 =	vsub.f32 v21, v26  }
0x1f1: {  	v50 =	vld [tilespmem:$0xC6A0]  }
0x1f2: {  	v21 =	vmul.f32 v46, v21;
	_ =	sdelay $0x1  }
0x1f3: {  	v21 =	vmul.f32 v22, v21;
	_ =	sdelay $0x1  }
0x1f4: {  	v21 =	vadd.f32 v50, v21;
	_ =	sdelay $0x1  }
0x1f5: {  	[tilespmem:s6+$0x71A0] =	vst v21  }
0x1f6: {  	v21 =	vld [tilespmem:$0xC3B0]  }
0x1f7: {  	v20 =	vsub.f32 v20, v26  }
0x1f8: {  	v51 =	vld [tilespmem:$0xC6B0]  }
0x1f9: {  	v20 =	vmul.f32 v46, v20;
	_ =	sdelay $0x1  }
0x1fa: {  	v20 =	vmul.f32 v21, v20;
	_ =	sdelay $0x1  }
0x1fb: {  	v20 =	vadd.f32 v51, v20;
	_ =	sdelay $0x1  }
0x1fc: {  	[tilespmem:s6+$0x71B0] =	vst v20  }
0x1fd: {  	v20 =	vld [tilespmem:$0xC3C0]  }
0x1fe: {  	v19 =	vsub.f32 v19, v26  }
0x1ff: {  	v52 =	vld [tilespmem:$0xC6C0]  }
0x200: {  	v19 =	vmul.f32 v46, v19;
	_ =	sdelay $0x1  }
0x201: {  	v19 =	vmul.f32 v20, v19;
	_ =	sdelay $0x1  }
0x202: {  	v19 =	vadd.f32 v52, v19;
	_ =	sdelay $0x1  }
0x203: {  	[tilespmem:s6+$0x71C0] =	vst v19  }
0x204: {  	v19 =	vld [tilespmem:$0xC3D0]  }
0x205: {  	v18 =	vsub.f32 v18, v26  }
0x206: {  	v53 =	vld [tilespmem:$0xC6D0]  }
0x207: {  	v18 =	vmul.f32 v46, v18;
	_ =	sdelay $0x1  }
0x208: {  	v18 =	vmul.f32 v19, v18;
	_ =	sdelay $0x1  }
0x209: {  	v18 =	vadd.f32 v53, v18;
	_ =	sdelay $0x1  }
0x20a: {  	[tilespmem:s6+$0x71D0] =	vst v18  }
0x20b: {  	v18 =	vld [tilespmem:$0xC3E0]  }
0x20c: {  	v17 =	vsub.f32 v17, v26  }
0x20d: {  	v54 =	vld [tilespmem:$0xC6E0]  }
0x20e: {  	v17 =	vmul.f32 v46, v17;
	_ =	sdelay $0x1  }
0x20f: {  	v17 =	vmul.f32 v18, v17;
	_ =	sdelay $0x1  }
0x210: {  	v17 =	vadd.f32 v54, v17;
	_ =	sdelay $0x1  }
0x211: {  	[tilespmem:s6+$0x71E0] =	vst v17  }
0x212: {  	v17 =	vld [tilespmem:$0xC3F0]  }
0x213: {  	v16 =	vsub.f32 v16, v26  }
0x214: {  	v55 =	vld [tilespmem:$0xC6F0]  }
0x215: {  	v16 =	vmul.f32 v46, v16;
	_ =	sdelay $0x1  }
0x216: {  	v16 =	vmul.f32 v17, v16;
	_ =	sdelay $0x1  }
0x217: {  	v16 =	vadd.f32 v55, v16;
	_ =	sdelay $0x1  }
0x218: {  	[tilespmem:s6+$0x71F0] =	vst v16  }
0x219: {  	v16 =	vld [tilespmem:$0xC400]  }
0x21a: {  	v15 =	vsub.f32 v15, v26  }
0x21b: {  	v56 =	vld [tilespmem:$0xC700]  }
0x21c: {  	v15 =	vmul.f32 v46, v15;
	_ =	sdelay $0x1  }
0x21d: {  	v15 =	vmul.f32 v16, v15;
	_ =	sdelay $0x1  }
0x21e: {  	v15 =	vadd.f32 v56, v15;
	_ =	sdelay $0x1  }
0x21f: {  	[tilespmem:s6+$0x7580] =	vst v15  }
0x220: {  	v15 =	vld [tilespmem:$0xC410]  }
0x221: {  	v14 =	vsub.f32 v14, v26  }
0x222: {  	v57 =	vld [tilespmem:$0xC710]  }
0x223: {  	v14 =	vmul.f32 v46, v14;
	_ =	sdelay $0x1  }
0x224: {  	v14 =	vmul.f32 v15, v14;
	_ =	sdelay $0x1  }
0x225: {  	v14 =	vadd.f32 v57, v14;
	_ =	sdelay $0x1  }
0x226: {  	[tilespmem:s6+$0x7590] =	vst v14  }
0x227: {  	v14 =	vld [tilespmem:$0xC420]  }
0x228: {  	v13 =	vsub.f32 v13, v26  }
0x229: {  	v58 =	vld [tilespmem:$0xC720]  }
0x22a: {  	v13 =	vmul.f32 v46, v13;
	_ =	sdelay $0x1  }
0x22b: {  	v13 =	vmul.f32 v14, v13;
	_ =	sdelay $0x1  }
0x22c: {  	v13 =	vadd.f32 v58, v13;
	_ =	sdelay $0x1  }
0x22d: {  	[tilespmem:s6+$0x75A0] =	vst v13  }
0x22e: {  	v13 =	vld [tilespmem:$0xC430]  }
0x22f: {  	v12 =	vsub.f32 v12, v26  }
0x230: {  	v59 =	vld [tilespmem:$0xC730]  }
0x231: {  	v12 =	vmul.f32 v46, v12;
	_ =	sdelay $0x1  }
0x232: {  	v12 =	vmul.f32 v13, v12;
	_ =	sdelay $0x1  }
0x233: {  	v12 =	vadd.f32 v59, v12;
	_ =	sdelay $0x1  }
0x234: {  	[tilespmem:s6+$0x75B0] =	vst v12  }
0x235: {  	v12 =	vld [tilespmem:$0xC440]  }
0x236: {  	v11 =	vsub.f32 v11, v26  }
0x237: {  	v60 =	vld [tilespmem:$0xC740]  }
0x238: {  	v11 =	vmul.f32 v46, v11;
	_ =	sdelay $0x1  }
0x239: {  	v11 =	vmul.f32 v12, v11;
	_ =	sdelay $0x1  }
0x23a: {  	v11 =	vadd.f32 v60, v11;
	_ =	sdelay $0x1  }
0x23b: {  	[tilespmem:s6+$0x75C0] =	vst v11  }
0x23c: {  	v11 =	vld [tilespmem:$0xC450]  }
0x23d: {  	v10 =	vsub.f32 v10, v26  }
0x23e: {  	v61 =	vld [tilespmem:$0xC750]  }
0x23f: {  	v10 =	vmul.f32 v46, v10;
	_ =	sdelay $0x1  }
0x240: {  	v10 =	vmul.f32 v11, v10;
	_ =	sdelay $0x1  }
0x241: {  	v10 =	vadd.f32 v61, v10;
	_ =	sdelay $0x1  }
0x242: {  	[tilespmem:s6+$0x75D0] =	vst v10  }
0x243: {  	v10 =	vld [tilespmem:$0xC460]  }
0x244: {  	v9 =	vsub.f32 v9, v26  }
0x245: {  	v62 =	vld [tilespmem:$0xC760]  }
0x246: {  	v9 =	vmul.f32 v46, v9;
	_ =	sdelay $0x1  }
0x247: {  	v9 =	vmul.f32 v10, v9;
	_ =	sdelay $0x1  }
0x248: {  	v9 =	vadd.f32 v62, v9;
	_ =	sdelay $0x1  }
0x249: {  	[tilespmem:s6+$0x75E0] =	vst v9  }
0x24a: {  	v9 =	vld [tilespmem:$0xC470]  }
0x24b: {  	v8 =	vsub.f32 v8, v26  }
0x24c: {  	v63 =	vld [tilespmem:$0xC770]  }
0x24d: {  	v8 =	vmul.f32 v46, v8  }
0x24e: {  	p0 =	sne.s32 s29, $0x1F  }
.Ltmp0:
0x24f: {  	v8 =	vmul.f32 v9, v8;
	(pc) =	sbr.rel @p0 .LBB2_3-.Ltmp0, $3  }
0x250: {  	_ = 	snop  }
0x251: {  	v8 =	vadd.f32 v63, v8;
	_ =	sdelay $0x1  }
0x252: {  	s28 =	sadd.s32 $0x80, s28;
	s29 =	sadd.s32 $0x1, s29;
	[tilespmem:s6+$0x75F0] =	vst v8  }
0x253: {  	s6 =	smul.u32 $0x300, s26;
	s25 =	sadd.s32 $0x1, s25  }
0x254: {  	s30 =	rddreg [dreg:$0x4];
	p0 =	sne.s32 s25, $0x20  }
.Ltmp1:
0x255: {  	s6 =	sadd.s32 s30, s6;
	(pc) =	sbr.rel @p0 .LBB2_2-.Ltmp1, $4  }
0x256: {  	[hbm4b:s6+s31] =	stream.linear.scatter [tilespmem:s7], [sflag:$0x3], $0x6000, $0x38;
	[tilespmem:$0xC780] =	vst v63  }
0x257: {  	_ =	swait.ge [sflag:s17], $0x6000  }
0x258: {  	[sflag:s17] =	ssyncset.done $0x0  }
0x259: {  	[sflag:s17] =	ssyncadd.s32 $0xFFFFA000  }
0x25a: {  	s25 =	rddreg [dreg:$0x7]  }
0x25b: {  	s6 =	rddreg [dreg:$0x6];
	s25 =	sadd.s32 $0x1, s25  }
0x25c: {  	p0 =	sne.s32 s25, s6  }
.Ltmp2:
0x25d: {  	_ = 	snop;
	(pc) =	sbr.rel @p0 .LBB2_1-.Ltmp2, $1  }
0x25e: {  	_ =	sdelay $0x3  }
0x25f: {  	_ =	sfence.sel $0x180000  }
0x260: {  	[bflag:$0x0] =	sbarrier.arrive $0xFFFF  }
0x261: {  	_ =	strace $0x90000047  }
0x262: {  	s0 =	stileid.u32;
	[bflag:$0x2] =	sbarrier.arrive $0xFFFF  }
0x263: {  	p0 =	sne.s32 s0, $0x0;
	s0 =	rddreg [dreg:$0x5]  }
0x264: {  	s0 =	sadd.s32 @!p0 $0x100000, s0  }
0x265: {  	[sflag:s0] =	ssyncadd.tile.s32 @!p0 $0x1;
	_ =	shalt  }
.Lfunc_end2:
_tile_overlayer_lowered:
.L_overlay_start_2:
0x266: {  	(tag) =	ssettag $0x2  }
0x267: {  	s0 =	rddreg [dreg:$0x0];
	s2 =	stileid.u32  }
0x268: {  	s1 =	rddreg [dreg:$0x1];
	p0 =	sne.s32 s2, $0x0  }
0x269: {  	s3 =	rddreg [dreg:$0x2];
	[bflag:$0x3] =	sbarrier.arrive $0xFFFF;
	s2 =	simm.s32 @!p0 $0x1C03  }
0x26a: {  	[timem:s3], [sflag:s2] =	dma.local @!p0 [hbm:s0], s1  }
0x26b: {  	s0 =	simm.s32 @!p0 $0x3  }
0x26c: {  	_ =	swait.ge @!p0 [sflag:s0], s1  }
0x26d: {  	s1 =	ssub.s32 @!p0 $0x0, s1;
	[sflag:s0] =	ssyncset.done @!p0 $0x0  }
0x26e: {  	[sflag:s0] =	ssyncadd.s32 @!p0 s1  }
0x26f: {  	[bflag:$0x3] =	sbarrier.arrive $0xFFFF  }
0x270: {  	_ =	shalt  }

</sc_bundles>
